<compile_context>
chip_gen: v7x
topology: tpu7x:2x2x1
jax: 0.10.2.dev20260603
libtpu: 0.0.44.dev20260713+nightly
codegen_flags: <defaults>
</compile_context>

<pallas_src>
import functools

import jax
import jax.numpy as jnp
from jax import lax
from jax.experimental import pallas as pl
from jax.experimental.pallas import tpu as pltpu
from jax.experimental.pallas import tpu_sc as plsc

_N = 10000
_E = 320000
_NC = 2
_NS = 16
_C = 128
_CHUNKS = 79
_EPT = _C * _CHUNKS
_EPAD = _NC * _NS * _EPT
_NPAD = 10112
_ZROWS = _NPAD // _NS

_f32 = jnp.float32


def _sc_mesh():
    return plsc.VectorSubcoreMesh(core_axis_name="c", subcore_axis_name="s")


def _make_edge_pass(D):

    @functools.partial(
        pl.kernel,
        out_type=jax.ShapeDtypeStruct((_NC, _NPAD, D), _f32),
        mesh=_sc_mesh(),
        scratch_types=[
            pltpu.VMEM((_C,), jnp.int32),
            pltpu.VMEM((_C,), jnp.int32),
            pltpu.VMEM((_C, D), _f32),
            pltpu.VMEM_SHARED((_NPAD, D), _f32),
            pltpu.SemaphoreType.DMA,
        ],
    )
    def edge_pass(g_hbm, srcp_hbm, dstp_hbm, zeros_hbm, out_hbm,
                  sidx, didx, rows, acc, sem):
        cid = lax.axis_index("c")
        sid = lax.axis_index("s")
        wid = cid * _NS + sid
        pltpu.sync_copy(zeros_hbm, acc.at[pl.ds(sid * _ZROWS, _ZROWS)])
        plsc.subcore_barrier()
        base = wid * _EPT

        def body(t, carry):
            off = base + t * _C
            pltpu.sync_copy(srcp_hbm.at[pl.ds(off, _C)], sidx)
            pltpu.sync_copy(dstp_hbm.at[pl.ds(off, _C)], didx)
            pltpu.async_copy(g_hbm.at[sidx], rows, sem).wait()
            pltpu.sync_copy(rows, acc.at[didx], add=True)
            return carry

        lax.fori_loop(0, _CHUNKS, body, 0)
        plsc.subcore_barrier()
        pltpu.sync_copy(acc.at[pl.ds(sid * _ZROWS, _ZROWS)],
                        out_hbm.at[cid, pl.ds(sid * _ZROWS, _ZROWS)])

    return edge_pass


_edge_pass_128 = _make_edge_pass(128)


@functools.partial(
    pl.kernel,
    out_type=jax.ShapeDtypeStruct((_NC, _NPAD, 128), _f32),
    mesh=_sc_mesh(),
    scratch_types=[
        pltpu.VMEM((_C,), jnp.int32),
        pltpu.VMEM((_C, 128), _f32),
        pltpu.VMEM_SHARED((_NPAD, 128), _f32),
    ],
)
def _deg_pass(dstp_hbm, ones_hbm, zeros_hbm, out_hbm, didx, ones_v, acc):
    cid = lax.axis_index("c")
    sid = lax.axis_index("s")
    wid = cid * _NS + sid
    pltpu.sync_copy(ones_hbm, ones_v)
    pltpu.sync_copy(zeros_hbm, acc.at[pl.ds(sid * _ZROWS, _ZROWS)])
    plsc.subcore_barrier()
    base = wid * _EPT

    def body(t, carry):
        off = base + t * _C
        pltpu.sync_copy(dstp_hbm.at[pl.ds(off, _C)], didx)
        pltpu.sync_copy(ones_v, acc.at[didx], add=True)
        return carry

    lax.fori_loop(0, _CHUNKS, body, 0)
    plsc.subcore_barrier()
    pltpu.sync_copy(acc.at[pl.ds(sid * _ZROWS, _ZROWS)],
                    out_hbm.at[cid, pl.ds(sid * _ZROWS, _ZROWS)])


_R = 2000


def _dot(a, b):
    return jnp.dot(a, b, preferred_element_type=_f32,
                   precision=lax.Precision.HIGHEST)


def _prep_body(x_ref, d0_ref, d1_ref, wi_ref, bi_ref, w0_ref,
               h0_ref, g0_ref, dv_ref):
    h = _dot(x_ref[...], wi_ref[...]) + bi_ref[...]
    deg = d0_ref[0, :, 0:1] + d1_ref[0, :, 0:1] + 1.0
    dv = lax.rsqrt(deg)
    h0_ref[...] = h
    dv_ref[...] = jnp.broadcast_to(dv, (_R, 128))
    g0_ref[...] = _dot(h, w0_ref[...]) * dv


def _prep(x, degp, w_in, b_in, wg0):
    grid = (_N // _R,)
    row = lambda i: (i, 0)
    full = lambda i: (0, 0)
    return pl.pallas_call(
        _prep_body,
        grid=grid,
        in_specs=[
            pl.BlockSpec((_R, 128), row),
            pl.BlockSpec((1, _R, 128), lambda i: (0, i, 0)),
            pl.BlockSpec((1, _R, 128), lambda i: (1, i, 0)),
            pl.BlockSpec((128, 128), full),
            pl.BlockSpec((1, 128), full),
            pl.BlockSpec((128, 128), full),
        ],
        out_specs=[pl.BlockSpec((_R, 128), row)] * 3,
        out_shape=[jax.ShapeDtypeStruct((_N, 128), _f32)] * 3,
    )(x, degp, degp, w_in, b_in, wg0)


def _make_mid_body(D2):
    def mid_body(s0_ref, s1_ref, g_ref, dv_ref, b_ref, wn_ref,
                 h_ref, gn_ref):
        dv = dv_ref[...]
        pre = (s0_ref[0] + s1_ref[0] + g_ref[...]) * dv + b_ref[...]
        h = jnp.where(pre > 0, pre, 0.2 * pre)
        h_ref[...] = h
        gn_ref[...] = _dot(h, wn_ref[...]) * dv[:, :D2]
    return mid_body


def _mid(sc, g, dv, b, wn, D2):
    grid = (_N // _R,)
    row = lambda i: (i, 0)
    full = lambda i: (0, 0)
    return pl.pallas_call(
        _make_mid_body(D2),
        grid=grid,
        in_specs=[
            pl.BlockSpec((1, _R, 128), lambda i: (0, i, 0)),
            pl.BlockSpec((1, _R, 128), lambda i: (1, i, 0)),
            pl.BlockSpec((_R, 128), row),
            pl.BlockSpec((_R, 128), row),
            pl.BlockSpec((1, 128), full),
            pl.BlockSpec((128, D2), full),
        ],
        out_specs=[pl.BlockSpec((_R, 128), row), pl.BlockSpec((_R, D2), row)],
        out_shape=[jax.ShapeDtypeStruct((_N, 128), _f32),
                   jax.ShapeDtypeStruct((_N, D2), _f32)],
    )(sc, sc, g, dv, b, wn)


def _final_body(s0_ref, s1_ref, g3_ref, dv_ref, bl_ref,
                h0_ref, h1_ref, h2_ref,
                ws0_ref, bs0_ref, ws1_ref, bs1_ref, ws2_ref, bs2_ref,
                out_ref):
    dv = dv_ref[...][:, :64]
    lat = (s0_ref[0][:, :64] + s1_ref[0][:, :64] + g3_ref[:, :64]) * dv
    lat = lat + bl_ref[...]
    lat = lat + _dot(h0_ref[...], ws0_ref[...]) + bs0_ref[...]
    lat = lat + _dot(h1_ref[...], ws1_ref[...]) + bs1_ref[...]
    lat = lat + _dot(h2_ref[...], ws2_ref[...]) + bs2_ref[...]
    out_ref[...] = lat


def _final(sc, g3, dv, b_lat, h0, h1, h2, ws0, bs0, ws1, bs1, ws2, bs2):
    grid = (_N // _R,)
    row = lambda i: (i, 0)
    full = lambda i: (0, 0)
    return pl.pallas_call(
        _final_body,
        grid=grid,
        in_specs=[
            pl.BlockSpec((1, _R, 128), lambda i: (0, i, 0)),
            pl.BlockSpec((1, _R, 128), lambda i: (1, i, 0)),
            pl.BlockSpec((_R, 128), row),
            pl.BlockSpec((_R, 128), row),
            pl.BlockSpec((1, 64), full),
            pl.BlockSpec((_R, 128), row),
            pl.BlockSpec((_R, 128), row),
            pl.BlockSpec((_R, 128), row),
            pl.BlockSpec((128, 64), full),
            pl.BlockSpec((1, 64), full),
            pl.BlockSpec((128, 64), full),
            pl.BlockSpec((1, 64), full),
            pl.BlockSpec((128, 64), full),
            pl.BlockSpec((1, 64), full),
        ],
        out_specs=pl.BlockSpec((_R, 64), row),
        out_shape=jax.ShapeDtypeStruct((_N, 64), _f32),
    )(sc, sc, g3, dv, b_lat, h0, h1, h2, ws0, bs0, ws1, bs1, ws2, bs2)


def kernel(x, edge_index, W_in, b_in, Wg0, bg0, Wg1, bg1, Wg2, bg2,
           W_lat, b_lat, Ws0, bs0, Ws1, bs1, Ws2, bs2):
    src = edge_index[0]
    dst = edge_index[1]
    pad = _EPAD - _E
    srcp = jnp.concatenate([src, jnp.zeros((pad,), src.dtype)])
    dstp = jnp.concatenate([dst, jnp.full((pad,), _N, dst.dtype)])

    zeros128 = jnp.zeros((_ZROWS, 128), _f32)
    ones128 = jnp.ones((_C, 128), _f32)
    wlat128 = jnp.concatenate([W_lat, jnp.zeros((128, 64), _f32)], axis=1)

    degp = _deg_pass(dstp, ones128, zeros128)
    h0, g0, dv = _prep(x, degp, W_in, jnp.reshape(b_in, (1, 128)), Wg0)

    sc = _edge_pass_128(g0, srcp, dstp, zeros128)
    h1, g1 = _mid(sc, g0, dv, jnp.reshape(bg0, (1, 128)), Wg1, 128)

    sc = _edge_pass_128(g1, srcp, dstp, zeros128)
    h2, g2 = _mid(sc, g1, dv, jnp.reshape(bg1, (1, 128)), Wg2, 128)

    sc = _edge_pass_128(g2, srcp, dstp, zeros128)
    h3, g3 = _mid(sc, g2, dv, jnp.reshape(bg2, (1, 128)), wlat128, 128)

    sc = _edge_pass_128(g3, srcp, dstp, zeros128)
    latent = _final(sc, g3, dv, jnp.reshape(b_lat, (1, 64)),
                    h0, h1, h2,
                    Ws0, jnp.reshape(bs0, (1, 64)),
                    Ws1, jnp.reshape(bs1, (1, 64)),
                    Ws2, jnp.reshape(bs2, (1, 64)))
    return latent

# --- scband reference (transcript-rebuilt; emitter-appended) ---
"""Pipeline reference for scband-gatencoder-12309376270478 (READ-ONLY COPY).

The authoritative reference and input builder live on the scoring server;
editing this copy changes nothing except your own understanding.
"""

import jax, jax.numpy as jnp
import numpy as np

N = 10000
E = 320000
D_IN = 128
D_H = 128
D_LAT = 64


def setup_inputs(seed: int = 0):
    key = jax.random.key(seed)
    ks = jax.random.split(key, 24)
    s = 0.05
    inp = {}
    inp["x"] = jax.random.normal(ks[0], (N, D_IN), dtype=jnp.float32)
    inp["edge_index"] = jax.random.randint(ks[1], (2, E), 0, N)
    # linear_input
    inp["W_in"] = jax.random.normal(ks[2], (D_IN, D_H), dtype=jnp.float32) * s
    inp["b_in"] = jnp.zeros((D_H,), jnp.float32)
    # 3 GCNConv layers (hidden -> hidden), PyG-style: lin weight + separate bias
    inp["Wg0"] = jax.random.normal(ks[3], (D_H, D_H), dtype=jnp.float32) * s
    inp["bg0"] = jnp.zeros((D_H,), jnp.float32)
    inp["Wg1"] = jax.random.normal(ks[4], (D_H, D_H), dtype=jnp.float32) * s
    inp["bg1"] = jnp.zeros((D_H,), jnp.float32)
    inp["Wg2"] = jax.random.normal(ks[5], (D_H, D_H), dtype=jnp.float32) * s
    inp["bg2"] = jnp.zeros((D_H,), jnp.float32)
    # latent GCNConv (hidden -> latent)
    inp["W_lat"] = jax.random.normal(ks[6], (D_H, D_LAT), dtype=jnp.float32) * s
    inp["b_lat"] = jnp.zeros((D_LAT,), jnp.float32)
    # skip linears (hidden -> latent)
    inp["Ws0"] = jax.random.normal(ks[7], (D_H, D_LAT), dtype=jnp.float32) * s
    inp["bs0"] = jnp.zeros((D_LAT,), jnp.float32)
    inp["Ws1"] = jax.random.normal(ks[8], (D_H, D_LAT), dtype=jnp.float32) * s
    inp["bs1"] = jnp.zeros((D_LAT,), jnp.float32)
    inp["Ws2"] = jax.random.normal(ks[9], (D_H, D_LAT), dtype=jnp.float32) * s
    inp["bs2"] = jnp.zeros((D_LAT,), jnp.float32)
    return inp


def reference(x, edge_index, W_in, b_in, Wg0, bg0, Wg1, bg1, Wg2, bg2, W_lat, b_lat, Ws0, bs0, Ws1, bs1, Ws2, bs2):
    # GCNConv (PyG default): add self-loops, symmetric D^-1/2 (A+I) D^-1/2 normalization,
    # linear transform then scatter-add aggregation over destination nodes, plus bias.
    src = edge_index[0]
    dst = edge_index[1]
    loop = jnp.arange(N, dtype=src.dtype)
    src = jnp.concatenate([src, loop])
    dst = jnp.concatenate([dst, loop])
    deg = jnp.zeros((N,), jnp.float32).at[dst].add(1.0)
    dinv = jax.lax.rsqrt(deg)  # deg >= 1 because of self-loops
    norm = dinv[src] * dinv[dst]

    def gcn(h, W, b):
        h2 = h @ W
        msg = h2[src] * norm[:, None]
        out = jnp.zeros((N, W.shape[1]), jnp.float32).at[dst].add(msg)
        return out + b

    def leaky(v):
        return jnp.where(v > 0, v, 0.2 * v)

    h = x @ W_in + b_in
    skips = []
    for (W, b) in ((Wg0, bg0), (Wg1, bg1), (Wg2, bg2)):
        skips.append(h)
        h = leaky(gcn(h, W, b))
        # dropout(p=0.01) is identity in eval mode
    latent = gcn(h, W_lat, b_lat)
    for sk, (W, b) in zip(skips, ((Ws0, bs0), (Ws1, bs1), (Ws2, bs2))):
        latent = latent + (sk @ W + b)
    return latent

if __name__ == "__main__":
    import jax
    _d = setup_inputs()
    print(jax.jit(kernel)(*tuple(_d.values())))

</pallas_src>

<mosaic_0001>
#map = affine_map<(d0, d1) -> (0, 0)>
#map1 = affine_map<(d0, d1) -> (0)>
#map2 = affine_map<(d0, d1) -> (0, 0, 0)>
module attributes {stable_mosaic.version = 14 : i64} {
  func.func @edge_pass(%arg0: i32, %arg1: i32, %arg2: memref<10000x128xf32, #tpu.memory_space<hbm>>, %arg3: memref<323584xi32, #tpu.memory_space<hbm>>, %arg4: memref<323584xi32, #tpu.memory_space<hbm>>, %arg5: memref<632x128xf32, #tpu.memory_space<hbm>>, %arg6: memref<2x10112x128xf32, #tpu.memory_space<hbm>>, %arg7: memref<128xi32, #tpu.memory_space<vmem>>, %arg8: memref<128xi32, #tpu.memory_space<vmem>>, %arg9: memref<128x128xf32, #tpu.memory_space<vmem>>, %arg10: memref<10112x128xf32, #tpu.memory_space<vmem_shared>>, %arg11: memref<!tpu.dma_semaphore, #tpu.memory_space<semaphore_mem>>) attributes {dimension_semantics = [#tpu.dimension_semantics<core_parallel>, #tpu.dimension_semantics<subcore_parallel>], iteration_bounds = array<i64: 2, 16>, scalar_prefetch = 0 : i64, scratch_operands = 5 : i64, tpu.core_type = #tpu.core_type<sc_vector_subcore>, window_params = [{transform_indices = #map}, {transform_indices = #map1}, {transform_indices = #map1}, {transform_indices = #map}, {transform_indices = #map2}]} {
    %mul3A = arith.constant 16 : i32
    %mul3A_0 = arith.muli %arg0, %mul3A : i32
    %add3A = arith.addi %mul3A_0, %arg1 : i32
    %mul3A_1 = arith.constant 632 : i32
    %mul3A_2 = arith.muli %arg1, %mul3A_1 : i32
    "tpu.region"() ({
      %run_scoped3A = tpu.sem_alloc : memref<!tpu.dma_semaphore, #tpu.memory_space<semaphore_mem>>
      %dma_start3A = arith.constant 0 : i32
      %dma_start3A_15 = tpu.memref_slice %arg10[%mul3A_2, %dma_start3A] : memref<10112x128xf32, #tpu.memory_space<vmem_shared>> -> memref<632x128xf32, #tpu.memory_space<vmem_shared>>
      tpu.enqueue_dma source(%arg5 : memref<632x128xf32, #tpu.memory_space<hbm>>) target(%dma_start3A_15 : memref<632x128xf32, #tpu.memory_space<vmem_shared>>) target_semaphore(%run_scoped3A : memref<!tpu.dma_semaphore, #tpu.memory_space<semaphore_mem>>)
      %dma_wait3A = arith.constant 0 : i32
      %dma_wait3A_16 = tpu.memref_slice %arg10[%mul3A_2, %dma_wait3A] : memref<10112x128xf32, #tpu.memory_space<vmem_shared>> -> memref<632x128xf32, #tpu.memory_space<vmem_shared>>
      tpu.wait_dma2 semaphore(%run_scoped3A : memref<!tpu.dma_semaphore, #tpu.memory_space<semaphore_mem>>) src(%arg5 : memref<632x128xf32, #tpu.memory_space<hbm>>) dst(%dma_wait3A_16 : memref<632x128xf32, #tpu.memory_space<vmem_shared>>)
      tpu.yield
    }) : () -> ()
    %barrier3A = arith.constant 0 : index
    tpu.barrier barrier_id(%barrier3A)
    %mul3A_3 = arith.constant 10112 : i32
    %mul3A_4 = arith.muli %add3A, %mul3A_3 : i32
    %scan3A = arith.constant 0 : i32
    %scan3A_5 = arith.constant 0 : i32
    %scan3A_6 = arith.constant 79 : i32
    %scan3A_7 = arith.addi %scan3A_5, %scan3A_6 : i32
    %scan3A_8 = arith.constant 1 : i32
    scf.for %scan3A_15 = %scan3A_5 to %scan3A_7 step %scan3A_8  : i32 {
      %mul3A_16 = arith.constant 128 : i32
      %mul3A_17 = arith.muli %scan3A_15, %mul3A_16 : i32
      %add3A_18 = arith.addi %mul3A_4, %mul3A_17 : i32
      "tpu.region"() ({
        %run_scoped3A = tpu.sem_alloc : memref<!tpu.dma_semaphore, #tpu.memory_space<semaphore_mem>>
        %dma_start3A_23 = tpu.memref_slice %arg3[%add3A_18] : memref<323584xi32, #tpu.memory_space<hbm>> -> memref<128xi32, #tpu.memory_space<hbm>>
        %dma_start3A_24 = tpu.memref_slice %arg3[%add3A_18] : memref<323584xi32, #tpu.memory_space<hbm>> -> memref<128xi32, #tpu.memory_space<hbm>>
        tpu.enqueue_dma source(%dma_start3A_24 : memref<128xi32, #tpu.memory_space<hbm>>) target(%arg7 : memref<128xi32, #tpu.memory_space<vmem>>) target_semaphore(%run_scoped3A : memref<!tpu.dma_semaphore, #tpu.memory_space<semaphore_mem>>)
        %dma_wait3A_25 = tpu.memref_slice %arg3[%add3A_18] : memref<323584xi32, #tpu.memory_space<hbm>> -> memref<128xi32, #tpu.memory_space<hbm>>
        %dma_wait3A_26 = tpu.memref_slice %arg3[%add3A_18] : memref<323584xi32, #tpu.memory_space<hbm>> -> memref<128xi32, #tpu.memory_space<hbm>>
        tpu.wait_dma2 semaphore(%run_scoped3A : memref<!tpu.dma_semaphore, #tpu.memory_space<semaphore_mem>>) src(%dma_wait3A_26 : memref<128xi32, #tpu.memory_space<hbm>>) dst(%arg7 : memref<128xi32, #tpu.memory_space<vmem>>)
        tpu.yield
      }) : () -> ()
      "tpu.region"() ({
        %run_scoped3A = tpu.sem_alloc : memref<!tpu.dma_semaphore, #tpu.memory_space<semaphore_mem>>
        %dma_start3A_23 = tpu.memref_slice %arg4[%add3A_18] : memref<323584xi32, #tpu.memory_space<hbm>> -> memref<128xi32, #tpu.memory_space<hbm>>
        %dma_start3A_24 = tpu.memref_slice %arg4[%add3A_18] : memref<323584xi32, #tpu.memory_space<hbm>> -> memref<128xi32, #tpu.memory_space<hbm>>
        tpu.enqueue_dma source(%dma_start3A_24 : memref<128xi32, #tpu.memory_space<hbm>>) target(%arg8 : memref<128xi32, #tpu.memory_space<vmem>>) target_semaphore(%run_scoped3A : memref<!tpu.dma_semaphore, #tpu.memory_space<semaphore_mem>>)
        %dma_wait3A_25 = tpu.memref_slice %arg4[%add3A_18] : memref<323584xi32, #tpu.memory_space<hbm>> -> memref<128xi32, #tpu.memory_space<hbm>>
        %dma_wait3A_26 = tpu.memref_slice %arg4[%add3A_18] : memref<323584xi32, #tpu.memory_space<hbm>> -> memref<128xi32, #tpu.memory_space<hbm>>
        tpu.wait_dma2 semaphore(%run_scoped3A : memref<!tpu.dma_semaphore, #tpu.memory_space<semaphore_mem>>) src(%dma_wait3A_26 : memref<128xi32, #tpu.memory_space<hbm>>) dst(%arg8 : memref<128xi32, #tpu.memory_space<vmem>>)
        tpu.yield
      }) : () -> ()
      %dma_start3A = arith.constant 0 : i32
      %dma_start3A_19 = arith.constant 0 : i32
      %dma_start3A_20 = tpu.memref_slice %arg2[%dma_start3A, %dma_start3A_19] : memref<10000x128xf32, #tpu.memory_space<hbm>> -> memref<10000x128xf32, #tpu.memory_space<hbm>>
      tpu.enqueue_indirect_dma source(%dma_start3A_20 : memref<10000x128xf32, #tpu.memory_space<hbm>>) target(%arg9 : memref<128x128xf32, #tpu.memory_space<vmem>>) offsets(%arg7 : memref<128xi32, #tpu.memory_space<vmem>>) semaphore(%arg11 : memref<!tpu.dma_semaphore, #tpu.memory_space<semaphore_mem>>)
      %dma_wait3A = arith.constant 0 : i32
      %dma_wait3A_21 = arith.constant 0 : i32
      %dma_wait3A_22 = tpu.memref_slice %arg2[%dma_wait3A, %dma_wait3A_21] : memref<10000x128xf32, #tpu.memory_space<hbm>> -> memref<10000x128xf32, #tpu.memory_space<hbm>>
      tpu.wait_indirect_dma semaphore(%arg11 : memref<!tpu.dma_semaphore, #tpu.memory_space<semaphore_mem>>) src(%dma_wait3A_22 : memref<10000x128xf32, #tpu.memory_space<hbm>>) dst(%arg9 : memref<128x128xf32, #tpu.memory_space<vmem>>)
      "tpu.region"() ({
        %run_scoped3A = tpu.sem_alloc : memref<!tpu.dma_semaphore, #tpu.memory_space<semaphore_mem>>
        %dma_start3A_23 = arith.constant 0 : i32
        %dma_start3A_24 = arith.constant 0 : i32
        %dma_start3A_25 = tpu.memref_slice %arg10[%dma_start3A_23, %dma_start3A_24] : memref<10112x128xf32, #tpu.memory_space<vmem_shared>> -> memref<10112x128xf32, #tpu.memory_space<vmem_shared>>
        tpu.enqueue_indirect_dma source(%arg9 : memref<128x128xf32, #tpu.memory_space<vmem>>) target(%dma_start3A_25 : memref<10112x128xf32, #tpu.memory_space<vmem_shared>>) offsets(%arg8 : memref<128xi32, #tpu.memory_space<vmem>>) semaphore(%run_scoped3A : memref<!tpu.dma_semaphore, #tpu.memory_space<semaphore_mem>>) {add = true}
        %dma_wait3A_26 = arith.constant 0 : i32
        %dma_wait3A_27 = arith.constant 0 : i32
        %dma_wait3A_28 = tpu.memref_slice %arg10[%dma_wait3A_26, %dma_wait3A_27] : memref<10112x128xf32, #tpu.memory_space<vmem_shared>> -> memref<10112x128xf32, #tpu.memory_space<vmem_shared>>
        tpu.wait_indirect_dma semaphore(%run_scoped3A : memref<!tpu.dma_semaphore, #tpu.memory_space<semaphore_mem>>) src(%arg9 : memref<128x128xf32, #tpu.memory_space<vmem>>) dst(%dma_wait3A_28 : memref<10112x128xf32, #tpu.memory_space<vmem_shared>>)
        tpu.yield
      }) : () -> ()
    }
    %scan3A_9 = arith.constant 79 : i32
    %barrier3A_10 = arith.constant 0 : index
    tpu.barrier barrier_id(%barrier3A_10)
    %mul3A_11 = arith.constant 632 : i32
    %mul3A_12 = arith.muli %arg1, %mul3A_11 : i32
    %mul3A_13 = arith.constant 632 : i32
    %mul3A_14 = arith.muli %arg1, %mul3A_13 : i32
    "tpu.region"() ({
      %run_scoped3A = tpu.sem_alloc : memref<!tpu.dma_semaphore, #tpu.memory_space<semaphore_mem>>
      %dma_start3A = arith.constant 0 : i32
      %dma_start3A_15 = tpu.memref_slice %arg6[%arg0, %mul3A_14, %dma_start3A] : memref<2x10112x128xf32, #tpu.memory_space<hbm>> -> memref<1x632x128xf32, #tpu.memory_space<hbm>>
      %dma_start3A_16 = tpu.memref_squeeze %dma_start3A_15 : memref<1x632x128xf32, #tpu.memory_space<hbm>> -> memref<632x128xf32, #tpu.memory_space<hbm>>
      %dma_start3A_17 = arith.constant 0 : i32
      %dma_start3A_18 = tpu.memref_slice %arg10[%mul3A_12, %dma_start3A_17] : memref<10112x128xf32, #tpu.memory_space<vmem_shared>> -> memref<632x128xf32, #tpu.memory_space<vmem_shared>>
      tpu.enqueue_dma source(%dma_start3A_18 : memref<632x128xf32, #tpu.memory_space<vmem_shared>>) target(%dma_start3A_16 : memref<632x128xf32, #tpu.memory_space<hbm>>) target_semaphore(%run_scoped3A : memref<!tpu.dma_semaphore, #tpu.memory_space<semaphore_mem>>)
      %dma_wait3A = arith.constant 0 : i32
      %dma_wait3A_19 = tpu.memref_slice %arg6[%arg0, %mul3A_14, %dma_wait3A] : memref<2x10112x128xf32, #tpu.memory_space<hbm>> -> memref<1x632x128xf32, #tpu.memory_space<hbm>>
      %dma_wait3A_20 = tpu.memref_squeeze %dma_wait3A_19 : memref<1x632x128xf32, #tpu.memory_space<hbm>> -> memref<632x128xf32, #tpu.memory_space<hbm>>
      %dma_wait3A_21 = arith.constant 0 : i32
      %dma_wait3A_22 = tpu.memref_slice %arg10[%mul3A_12, %dma_wait3A_21] : memref<10112x128xf32, #tpu.memory_space<vmem_shared>> -> memref<632x128xf32, #tpu.memory_space<vmem_shared>>
      tpu.wait_dma2 semaphore(%run_scoped3A : memref<!tpu.dma_semaphore, #tpu.memory_space<semaphore_mem>>) src(%dma_wait3A_22 : memref<632x128xf32, #tpu.memory_space<vmem_shared>>) dst(%dma_wait3A_20 : memref<632x128xf32, #tpu.memory_space<hbm>>)
      tpu.yield
    }) : () -> ()
    return
  }
}

#map = affine_map<(d0, d1) -> (0, 0)>
#map1 = affine_map<(d0, d1) -> (0)>
#map2 = affine_map<(d0, d1) -> (0, 0, 0)>
module attributes {stable_mosaic.version = 14 : i64} {
  func.func @edge_pass(%arg0: i32, %arg1: i32, %arg2: memref<10000x128xf32, #tpu.memory_space<hbm>>, %arg3: memref<323584xi32, #tpu.memory_space<hbm>>, %arg4: memref<323584xi32, #tpu.memory_space<hbm>>, %arg5: memref<632x128xf32, #tpu.memory_space<hbm>>, %arg6: memref<2x10112x128xf32, #tpu.memory_space<hbm>>, %arg7: memref<128xi32, #tpu.memory_space<vmem>>, %arg8: memref<128xi32, #tpu.memory_space<vmem>>, %arg9: memref<128x128xf32, #tpu.memory_space<vmem>>, %arg10: memref<10112x128xf32, #tpu.memory_space<vmem_shared>>, %arg11: memref<!tpu.dma_semaphore, #tpu.memory_space<semaphore_mem>>) attributes {dimension_semantics = [#tpu.dimension_semantics<core_parallel>, #tpu.dimension_semantics<subcore_parallel>], iteration_bounds = array<i64: 2, 16>, scalar_prefetch = 0 : i64, scratch_operands = 5 : i64, tpu.core_type = #tpu.core_type<sc_vector_subcore>, window_params = [{transform_indices = #map}, {transform_indices = #map1}, {transform_indices = #map1}, {transform_indices = #map}, {transform_indices = #map2}]} {
    %mul3A = arith.constant 16 : i32
    %mul3A_0 = arith.muli %arg0, %mul3A : i32
    %add3A = arith.addi %mul3A_0, %arg1 : i32
    %mul3A_1 = arith.constant 632 : i32
    %mul3A_2 = arith.muli %arg1, %mul3A_1 : i32
    "tpu.region"() ({
      %run_scoped3A = tpu.sem_alloc : memref<!tpu.dma_semaphore, #tpu.memory_space<semaphore_mem>>
      %dma_start3A = arith.constant 0 : i32
      %dma_start3A_15 = tpu.memref_slice %arg10[%mul3A_2, %dma_start3A] : memref<10112x128xf32, #tpu.memory_space<vmem_shared>> -> memref<632x128xf32, #tpu.memory_space<vmem_shared>>
      tpu.enqueue_dma source(%arg5 : memref<632x128xf32, #tpu.memory_space<hbm>>) target(%dma_start3A_15 : memref<632x128xf32, #tpu.memory_space<vmem_shared>>) target_semaphore(%run_scoped3A : memref<!tpu.dma_semaphore, #tpu.memory_space<semaphore_mem>>)
      %dma_wait3A = arith.constant 0 : i32
      %dma_wait3A_16 = tpu.memref_slice %arg10[%mul3A_2, %dma_wait3A] : memref<10112x128xf32, #tpu.memory_space<vmem_shared>> -> memref<632x128xf32, #tpu.memory_space<vmem_shared>>
      tpu.wait_dma2 semaphore(%run_scoped3A : memref<!tpu.dma_semaphore, #tpu.memory_space<semaphore_mem>>) src(%arg5 : memref<632x128xf32, #tpu.memory_space<hbm>>) dst(%dma_wait3A_16 : memref<632x128xf32, #tpu.memory_space<vmem_shared>>)
      tpu.yield
    }) : () -> ()
    %barrier3A = arith.constant 0 : index
    tpu.barrier barrier_id(%barrier3A)
    %mul3A_3 = arith.constant 10112 : i32
    %mul3A_4 = arith.muli %add3A, %mul3A_3 : i32
    %scan3A = arith.constant 0 : i32
    %scan3A_5 = arith.constant 0 : i32
    %scan3A_6 = arith.constant 79 : i32
    %scan3A_7 = arith.addi %scan3A_5, %scan3A_6 : i32
    %scan3A_8 = arith.constant 1 : i32
    scf.for %scan3A_15 = %scan3A_5 to %scan3A_7 step %scan3A_8  : i32 {
      %mul3A_16 = arith.constant 128 : i32
      %mul3A_17 = arith.muli %scan3A_15, %mul3A_16 : i32
      %add3A_18 = arith.addi %mul3A_4, %mul3A_17 : i32
      "tpu.region"() ({
        %run_scoped3A = tpu.sem_alloc : memref<!tpu.dma_semaphore, #tpu.memory_space<semaphore_mem>>
        %dma_start3A_23 = tpu.memref_slice %arg3[%add3A_18] : memref<323584xi32, #tpu.memory_space<hbm>> -> memref<128xi32, #tpu.memory_space<hbm>>
        %dma_start3A_24 = tpu.memref_slice %arg3[%add3A_18] : memref<323584xi32, #tpu.memory_space<hbm>> -> memref<128xi32, #tpu.memory_space<hbm>>
        tpu.enqueue_dma source(%dma_start3A_24 : memref<128xi32, #tpu.memory_space<hbm>>) target(%arg7 : memref<128xi32, #tpu.memory_space<vmem>>) target_semaphore(%run_scoped3A : memref<!tpu.dma_semaphore, #tpu.memory_space<semaphore_mem>>)
        %dma_wait3A_25 = tpu.memref_slice %arg3[%add3A_18] : memref<323584xi32, #tpu.memory_space<hbm>> -> memref<128xi32, #tpu.memory_space<hbm>>
        %dma_wait3A_26 = tpu.memref_slice %arg3[%add3A_18] : memref<323584xi32, #tpu.memory_space<hbm>> -> memref<128xi32, #tpu.memory_space<hbm>>
        tpu.wait_dma2 semaphore(%run_scoped3A : memref<!tpu.dma_semaphore, #tpu.memory_space<semaphore_mem>>) src(%dma_wait3A_26 : memref<128xi32, #tpu.memory_space<hbm>>) dst(%arg7 : memref<128xi32, #tpu.memory_space<vmem>>)
        tpu.yield
      }) : () -> ()
      "tpu.region"() ({
        %run_scoped3A = tpu.sem_alloc : memref<!tpu.dma_semaphore, #tpu.memory_space<semaphore_mem>>
        %dma_start3A_23 = tpu.memref_slice %arg4[%add3A_18] : memref<323584xi32, #tpu.memory_space<hbm>> -> memref<128xi32, #tpu.memory_space<hbm>>
        %dma_start3A_24 = tpu.memref_slice %arg4[%add3A_18] : memref<323584xi32, #tpu.memory_space<hbm>> -> memref<128xi32, #tpu.memory_space<hbm>>
        tpu.enqueue_dma source(%dma_start3A_24 : memref<128xi32, #tpu.memory_space<hbm>>) target(%arg8 : memref<128xi32, #tpu.memory_space<vmem>>) target_semaphore(%run_scoped3A : memref<!tpu.dma_semaphore, #tpu.memory_space<semaphore_mem>>)
        %dma_wait3A_25 = tpu.memref_slice %arg4[%add3A_18] : memref<323584xi32, #tpu.memory_space<hbm>> -> memref<128xi32, #tpu.memory_space<hbm>>
        %dma_wait3A_26 = tpu.memref_slice %arg4[%add3A_18] : memref<323584xi32, #tpu.memory_space<hbm>> -> memref<128xi32, #tpu.memory_space<hbm>>
        tpu.wait_dma2 semaphore(%run_scoped3A : memref<!tpu.dma_semaphore, #tpu.memory_space<semaphore_mem>>) src(%dma_wait3A_26 : memref<128xi32, #tpu.memory_space<hbm>>) dst(%arg8 : memref<128xi32, #tpu.memory_space<vmem>>)
        tpu.yield
      }) : () -> ()
      %dma_start3A = arith.constant 0 : i32
      %dma_start3A_19 = arith.constant 0 : i32
      %dma_start3A_20 = tpu.memref_slice %arg2[%dma_start3A, %dma_start3A_19] : memref<10000x128xf32, #tpu.memory_space<hbm>> -> memref<10000x128xf32, #tpu.memory_space<hbm>>
      tpu.enqueue_indirect_dma source(%dma_start3A_20 : memref<10000x128xf32, #tpu.memory_space<hbm>>) target(%arg9 : memref<128x128xf32, #tpu.memory_space<vmem>>) offsets(%arg7 : memref<128xi32, #tpu.memory_space<vmem>>) semaphore(%arg11 : memref<!tpu.dma_semaphore, #tpu.memory_space<semaphore_mem>>)
      %dma_wait3A = arith.constant 0 : i32
      %dma_wait3A_21 = arith.constant 0 : i32
      %dma_wait3A_22 = tpu.memref_slice %arg2[%dma_wait3A, %dma_wait3A_21] : memref<10000x128xf32, #tpu.memory_space<hbm>> -> memref<10000x128xf32, #tpu.memory_space<hbm>>
      tpu.wait_indirect_dma semaphore(%arg11 : memref<!tpu.dma_semaphore, #tpu.memory_space<semaphore_mem>>) src(%dma_wait3A_22 : memref<10000x128xf32, #tpu.memory_space<hbm>>) dst(%arg9 : memref<128x128xf32, #tpu.memory_space<vmem>>)
      "tpu.region"() ({
        %run_scoped3A = tpu.sem_alloc : memref<!tpu.dma_semaphore, #tpu.memory_space<semaphore_mem>>
        %dma_start3A_23 = arith.constant 0 : i32
        %dma_start3A_24 = arith.constant 0 : i32
        %dma_start3A_25 = tpu.memref_slice %arg10[%dma_start3A_23, %dma_start3A_24] : memref<10112x128xf32, #tpu.memory_space<vmem_shared>> -> memref<10112x128xf32, #tpu.memory_space<vmem_shared>>
        tpu.enqueue_indirect_dma source(%arg9 : memref<128x128xf32, #tpu.memory_space<vmem>>) target(%dma_start3A_25 : memref<10112x128xf32, #tpu.memory_space<vmem_shared>>) offsets(%arg8 : memref<128xi32, #tpu.memory_space<vmem>>) semaphore(%run_scoped3A : memref<!tpu.dma_semaphore, #tpu.memory_space<semaphore_mem>>) {add = true}
        %dma_wait3A_26 = arith.constant 0 : i32
        %dma_wait3A_27 = arith.constant 0 : i32
        %dma_wait3A_28 = tpu.memref_slice %arg10[%dma_wait3A_26, %dma_wait3A_27] : memref<10112x128xf32, #tpu.memory_space<vmem_shared>> -> memref<10112x128xf32, #tpu.memory_space<vmem_shared>>
        tpu.wait_indirect_dma semaphore(%run_scoped3A : memref<!tpu.dma_semaphore, #tpu.memory_space<semaphore_mem>>) src(%arg9 : memref<128x128xf32, #tpu.memory_space<vmem>>) dst(%dma_wait3A_28 : memref<10112x128xf32, #tpu.memory_space<vmem_shared>>)
        tpu.yield
      }) : () -> ()
    }
    %scan3A_9 = arith.constant 79 : i32
    %barrier3A_10 = arith.constant 0 : index
    tpu.barrier barrier_id(%barrier3A_10)
    %mul3A_11 = arith.constant 632 : i32
    %mul3A_12 = arith.muli %arg1, %mul3A_11 : i32
    %mul3A_13 = arith.constant 632 : i32
    %mul3A_14 = arith.muli %arg1, %mul3A_13 : i32
    "tpu.region"() ({
      %run_scoped3A = tpu.sem_alloc : memref<!tpu.dma_semaphore, #tpu.memory_space<semaphore_mem>>
      %dma_start3A = arith.constant 0 : i32
      %dma_start3A_15 = tpu.memref_slice %arg6[%arg0, %mul3A_14, %dma_start3A] : memref<2x10112x128xf32, #tpu.memory_space<hbm>> -> memref<1x632x128xf32, #tpu.memory_space<hbm>>
      %dma_start3A_16 = tpu.memref_squeeze %dma_start3A_15 : memref<1x632x128xf32, #tpu.memory_space<hbm>> -> memref<632x128xf32, #tpu.memory_space<hbm>>
      %dma_start3A_17 = arith.constant 0 : i32
      %dma_start3A_18 = tpu.memref_slice %arg10[%mul3A_12, %dma_start3A_17] : memref<10112x128xf32, #tpu.memory_space<vmem_shared>> -> memref<632x128xf32, #tpu.memory_space<vmem_shared>>
      tpu.enqueue_dma source(%dma_start3A_18 : memref<632x128xf32, #tpu.memory_space<vmem_shared>>) target(%dma_start3A_16 : memref<632x128xf32, #tpu.memory_space<hbm>>) target_semaphore(%run_scoped3A : memref<!tpu.dma_semaphore, #tpu.memory_space<semaphore_mem>>)
      %dma_wait3A = arith.constant 0 : i32
      %dma_wait3A_19 = tpu.memref_slice %arg6[%arg0, %mul3A_14, %dma_wait3A] : memref<2x10112x128xf32, #tpu.memory_space<hbm>> -> memref<1x632x128xf32, #tpu.memory_space<hbm>>
      %dma_wait3A_20 = tpu.memref_squeeze %dma_wait3A_19 : memref<1x632x128xf32, #tpu.memory_space<hbm>> -> memref<632x128xf32, #tpu.memory_space<hbm>>
      %dma_wait3A_21 = arith.constant 0 : i32
      %dma_wait3A_22 = tpu.memref_slice %arg10[%mul3A_12, %dma_wait3A_21] : memref<10112x128xf32, #tpu.memory_space<vmem_shared>> -> memref<632x128xf32, #tpu.memory_space<vmem_shared>>
      tpu.wait_dma2 semaphore(%run_scoped3A : memref<!tpu.dma_semaphore, #tpu.memory_space<semaphore_mem>>) src(%dma_wait3A_22 : memref<632x128xf32, #tpu.memory_space<vmem_shared>>) dst(%dma_wait3A_20 : memref<632x128xf32, #tpu.memory_space<hbm>>)
      tpu.yield
    }) : () -> ()
    return
  }
}

#map = affine_map<(d0, d1) -> (0)>
#map1 = affine_map<(d0, d1) -> (0, 0)>
#map2 = affine_map<(d0, d1) -> (0, 0, 0)>
module attributes {stable_mosaic.version = 14 : i64} {
  func.func @_deg_pass(%arg0: i32, %arg1: i32, %arg2: memref<323584xi32, #tpu.memory_space<hbm>>, %arg3: memref<128x128xf32, #tpu.memory_space<hbm>>, %arg4: memref<632x128xf32, #tpu.memory_space<hbm>>, %arg5: memref<2x10112x128xf32, #tpu.memory_space<hbm>>, %arg6: memref<128xi32, #tpu.memory_space<vmem>>, %arg7: memref<128x128xf32, #tpu.memory_space<vmem>>, %arg8: memref<10112x128xf32, #tpu.memory_space<vmem_shared>>) attributes {dimension_semantics = [#tpu.dimension_semantics<core_parallel>, #tpu.dimension_semantics<subcore_parallel>], iteration_bounds = array<i64: 2, 16>, scalar_prefetch = 0 : i64, scratch_operands = 3 : i64, tpu.core_type = #tpu.core_type<sc_vector_subcore>, window_params = [{transform_indices = #map}, {transform_indices = #map1}, {transform_indices = #map1}, {transform_indices = #map2}]} {
    %mul3A = arith.constant 16 : i32
    %mul3A_0 = arith.muli %arg0, %mul3A : i32
    %add3A = arith.addi %mul3A_0, %arg1 : i32
    "tpu.region"() ({
      %run_scoped3A = tpu.sem_alloc : memref<!tpu.dma_semaphore, #tpu.memory_space<semaphore_mem>>
      tpu.enqueue_dma source(%arg3 : memref<128x128xf32, #tpu.memory_space<hbm>>) target(%arg7 : memref<128x128xf32, #tpu.memory_space<vmem>>) target_semaphore(%run_scoped3A : memref<!tpu.dma_semaphore, #tpu.memory_space<semaphore_mem>>)
      tpu.wait_dma2 semaphore(%run_scoped3A : memref<!tpu.dma_semaphore, #tpu.memory_space<semaphore_mem>>) src(%arg3 : memref<128x128xf32, #tpu.memory_space<hbm>>) dst(%arg7 : memref<128x128xf32, #tpu.memory_space<vmem>>)
      tpu.yield
    }) : () -> ()
    %mul3A_1 = arith.constant 632 : i32
    %mul3A_2 = arith.muli %arg1, %mul3A_1 : i32
    "tpu.region"() ({
      %run_scoped3A = tpu.sem_alloc : memref<!tpu.dma_semaphore, #tpu.memory_space<semaphore_mem>>
      %dma_start3A = arith.constant 0 : i32
      %dma_start3A_15 = tpu.memref_slice %arg8[%mul3A_2, %dma_start3A] : memref<10112x128xf32, #tpu.memory_space<vmem_shared>> -> memref<632x128xf32, #tpu.memory_space<vmem_shared>>
      tpu.enqueue_dma source(%arg4 : memref<632x128xf32, #tpu.memory_space<hbm>>) target(%dma_start3A_15 : memref<632x128xf32, #tpu.memory_space<vmem_shared>>) target_semaphore(%run_scoped3A : memref<!tpu.dma_semaphore, #tpu.memory_space<semaphore_mem>>)
      %dma_wait3A = arith.constant 0 : i32
      %dma_wait3A_16 = tpu.memref_slice %arg8[%mul3A_2, %dma_wait3A] : memref<10112x128xf32, #tpu.memory_space<vmem_shared>> -> memref<632x128xf32, #tpu.memory_space<vmem_shared>>
      tpu.wait_dma2 semaphore(%run_scoped3A : memref<!tpu.dma_semaphore, #tpu.memory_space<semaphore_mem>>) src(%arg4 : memref<632x128xf32, #tpu.memory_space<hbm>>) dst(%dma_wait3A_16 : memref<632x128xf32, #tpu.memory_space<vmem_shared>>)
      tpu.yield
    }) : () -> ()
    %barrier3A = arith.constant 0 : index
    tpu.barrier barrier_id(%barrier3A)
    %mul3A_3 = arith.constant 10112 : i32
    %mul3A_4 = arith.muli %add3A, %mul3A_3 : i32
    %scan3A = arith.constant 0 : i32
    %scan3A_5 = arith.constant 0 : i32
    %scan3A_6 = arith.constant 79 : i32
    %scan3A_7 = arith.addi %scan3A_5, %scan3A_6 : i32
    %scan3A_8 = arith.constant 1 : i32
    scf.for %scan3A_15 = %scan3A_5 to %scan3A_7 step %scan3A_8  : i32 {
      %mul3A_16 = arith.constant 128 : i32
      %mul3A_17 = arith.muli %scan3A_15, %mul3A_16 : i32
      %add3A_18 = arith.addi %mul3A_4, %mul3A_17 : i32
      "tpu.region"() ({
        %run_scoped3A = tpu.sem_alloc : memref<!tpu.dma_semaphore, #tpu.memory_space<semaphore_mem>>
        %dma_start3A = tpu.memref_slice %arg2[%add3A_18] : memref<323584xi32, #tpu.memory_space<hbm>> -> memref<128xi32, #tpu.memory_space<hbm>>
        %dma_start3A_19 = tpu.memref_slice %arg2[%add3A_18] : memref<323584xi32, #tpu.memory_space<hbm>> -> memref<128xi32, #tpu.memory_space<hbm>>
        tpu.enqueue_dma source(%dma_start3A_19 : memref<128xi32, #tpu.memory_space<hbm>>) target(%arg6 : memref<128xi32, #tpu.memory_space<vmem>>) target_semaphore(%run_scoped3A : memref<!tpu.dma_semaphore, #tpu.memory_space<semaphore_mem>>)
        %dma_wait3A = tpu.memref_slice %arg2[%add3A_18] : memref<323584xi32, #tpu.memory_space<hbm>> -> memref<128xi32, #tpu.memory_space<hbm>>
        %dma_wait3A_20 = tpu.memref_slice %arg2[%add3A_18] : memref<323584xi32, #tpu.memory_space<hbm>> -> memref<128xi32, #tpu.memory_space<hbm>>
        tpu.wait_dma2 semaphore(%run_scoped3A : memref<!tpu.dma_semaphore, #tpu.memory_space<semaphore_mem>>) src(%dma_wait3A_20 : memref<128xi32, #tpu.memory_space<hbm>>) dst(%arg6 : memref<128xi32, #tpu.memory_space<vmem>>)
        tpu.yield
      }) : () -> ()
      "tpu.region"() ({
        %run_scoped3A = tpu.sem_alloc : memref<!tpu.dma_semaphore, #tpu.memory_space<semaphore_mem>>
        %dma_start3A = arith.constant 0 : i32
        %dma_start3A_19 = arith.constant 0 : i32
        %dma_start3A_20 = tpu.memref_slice %arg8[%dma_start3A, %dma_start3A_19] : memref<10112x128xf32, #tpu.memory_space<vmem_shared>> -> memref<10112x128xf32, #tpu.memory_space<vmem_shared>>
        tpu.enqueue_indirect_dma source(%arg7 : memref<128x128xf32, #tpu.memory_space<vmem>>) target(%dma_start3A_20 : memref<10112x128xf32, #tpu.memory_space<vmem_shared>>) offsets(%arg6 : memref<128xi32, #tpu.memory_space<vmem>>) semaphore(%run_scoped3A : memref<!tpu.dma_semaphore, #tpu.memory_space<semaphore_mem>>) {add = true}
        %dma_wait3A = arith.constant 0 : i32
        %dma_wait3A_21 = arith.constant 0 : i32
        %dma_wait3A_22 = tpu.memref_slice %arg8[%dma_wait3A, %dma_wait3A_21] : memref<10112x128xf32, #tpu.memory_space<vmem_shared>> -> memref<10112x128xf32, #tpu.memory_space<vmem_shared>>
        tpu.wait_indirect_dma semaphore(%run_scoped3A : memref<!tpu.dma_semaphore, #tpu.memory_space<semaphore_mem>>) src(%arg7 : memref<128x128xf32, #tpu.memory_space<vmem>>) dst(%dma_wait3A_22 : memref<10112x128xf32, #tpu.memory_space<vmem_shared>>)
        tpu.yield
      }) : () -> ()
    }
    %scan3A_9 = arith.constant 79 : i32
    %barrier3A_10 = arith.constant 0 : index
    tpu.barrier barrier_id(%barrier3A_10)
    %mul3A_11 = arith.constant 632 : i32
    %mul3A_12 = arith.muli %arg1, %mul3A_11 : i32
    %mul3A_13 = arith.constant 632 : i32
    %mul3A_14 = arith.muli %arg1, %mul3A_13 : i32
    "tpu.region"() ({
      %run_scoped3A = tpu.sem_alloc : memref<!tpu.dma_semaphore, #tpu.memory_space<semaphore_mem>>
      %dma_start3A = arith.constant 0 : i32
      %dma_start3A_15 = tpu.memref_slice %arg5[%arg0, %mul3A_14, %dma_start3A] : memref<2x10112x128xf32, #tpu.memory_space<hbm>> -> memref<1x632x128xf32, #tpu.memory_space<hbm>>
      %dma_start3A_16 = tpu.memref_squeeze %dma_start3A_15 : memref<1x632x128xf32, #tpu.memory_space<hbm>> -> memref<632x128xf32, #tpu.memory_space<hbm>>
      %dma_start3A_17 = arith.constant 0 : i32
      %dma_start3A_18 = tpu.memref_slice %arg8[%mul3A_12, %dma_start3A_17] : memref<10112x128xf32, #tpu.memory_space<vmem_shared>> -> memref<632x128xf32, #tpu.memory_space<vmem_shared>>
      tpu.enqueue_dma source(%dma_start3A_18 : memref<632x128xf32, #tpu.memory_space<vmem_shared>>) target(%dma_start3A_16 : memref<632x128xf32, #tpu.memory_space<hbm>>) target_semaphore(%run_scoped3A : memref<!tpu.dma_semaphore, #tpu.memory_space<semaphore_mem>>)
      %dma_wait3A = arith.constant 0 : i32
      %dma_wait3A_19 = tpu.memref_slice %arg5[%arg0, %mul3A_14, %dma_wait3A] : memref<2x10112x128xf32, #tpu.memory_space<hbm>> -> memref<1x632x128xf32, #tpu.memory_space<hbm>>
      %dma_wait3A_20 = tpu.memref_squeeze %dma_wait3A_19 : memref<1x632x128xf32, #tpu.memory_space<hbm>> -> memref<632x128xf32, #tpu.memory_space<hbm>>
      %dma_wait3A_21 = arith.constant 0 : i32
      %dma_wait3A_22 = tpu.memref_slice %arg8[%mul3A_12, %dma_wait3A_21] : memref<10112x128xf32, #tpu.memory_space<vmem_shared>> -> memref<632x128xf32, #tpu.memory_space<vmem_shared>>
      tpu.wait_dma2 semaphore(%run_scoped3A : memref<!tpu.dma_semaphore, #tpu.memory_space<semaphore_mem>>) src(%dma_wait3A_22 : memref<632x128xf32, #tpu.memory_space<vmem_shared>>) dst(%dma_wait3A_20 : memref<632x128xf32, #tpu.memory_space<hbm>>)
      tpu.yield
    }) : () -> ()
    return
  }
}

#map = affine_map<(d0, d1) -> (0, 0)>
#map1 = affine_map<(d0, d1) -> (0)>
#map2 = affine_map<(d0, d1) -> (0, 0, 0)>
module attributes {stable_mosaic.version = 14 : i64} {
  func.func @edge_pass(%arg0: i32, %arg1: i32, %arg2: memref<10000x128xf32, #tpu.memory_space<hbm>>, %arg3: memref<323584xi32, #tpu.memory_space<hbm>>, %arg4: memref<323584xi32, #tpu.memory_space<hbm>>, %arg5: memref<632x128xf32, #tpu.memory_space<hbm>>, %arg6: memref<2x10112x128xf32, #tpu.memory_space<hbm>>, %arg7: memref<128xi32, #tpu.memory_space<vmem>>, %arg8: memref<128xi32, #tpu.memory_space<vmem>>, %arg9: memref<128x128xf32, #tpu.memory_space<vmem>>, %arg10: memref<10112x128xf32, #tpu.memory_space<vmem_shared>>, %arg11: memref<!tpu.dma_semaphore, #tpu.memory_space<semaphore_mem>>) attributes {dimension_semantics = [#tpu.dimension_semantics<core_parallel>, #tpu.dimension_semantics<subcore_parallel>], iteration_bounds = array<i64: 2, 16>, scalar_prefetch = 0 : i64, scratch_operands = 5 : i64, tpu.core_type = #tpu.core_type<sc_vector_subcore>, window_params = [{transform_indices = #map}, {transform_indices = #map1}, {transform_indices = #map1}, {transform_indices = #map}, {transform_indices = #map2}]} {
    %mul3A = arith.constant 16 : i32
    %mul3A_0 = arith.muli %arg0, %mul3A : i32
    %add3A = arith.addi %mul3A_0, %arg1 : i32
    %mul3A_1 = arith.constant 632 : i32
    %mul3A_2 = arith.muli %arg1, %mul3A_1 : i32
    "tpu.region"() ({
      %run_scoped3A = tpu.sem_alloc : memref<!tpu.dma_semaphore, #tpu.memory_space<semaphore_mem>>
      %dma_start3A = arith.constant 0 : i32
      %dma_start3A_15 = tpu.memref_slice %arg10[%mul3A_2, %dma_start3A] : memref<10112x128xf32, #tpu.memory_space<vmem_shared>> -> memref<632x128xf32, #tpu.memory_space<vmem_shared>>
      tpu.enqueue_dma source(%arg5 : memref<632x128xf32, #tpu.memory_space<hbm>>) target(%dma_start3A_15 : memref<632x128xf32, #tpu.memory_space<vmem_shared>>) target_semaphore(%run_scoped3A : memref<!tpu.dma_semaphore, #tpu.memory_space<semaphore_mem>>)
      %dma_wait3A = arith.constant 0 : i32
      %dma_wait3A_16 = tpu.memref_slice %arg10[%mul3A_2, %dma_wait3A] : memref<10112x128xf32, #tpu.memory_space<vmem_shared>> -> memref<632x128xf32, #tpu.memory_space<vmem_shared>>
      tpu.wait_dma2 semaphore(%run_scoped3A : memref<!tpu.dma_semaphore, #tpu.memory_space<semaphore_mem>>) src(%arg5 : memref<632x128xf32, #tpu.memory_space<hbm>>) dst(%dma_wait3A_16 : memref<632x128xf32, #tpu.memory_space<vmem_shared>>)
      tpu.yield
    }) : () -> ()
    %barrier3A = arith.constant 0 : index
    tpu.barrier barrier_id(%barrier3A)
    %mul3A_3 = arith.constant 10112 : i32
    %mul3A_4 = arith.muli %add3A, %mul3A_3 : i32
    %scan3A = arith.constant 0 : i32
    %scan3A_5 = arith.constant 0 : i32
    %scan3A_6 = arith.constant 79 : i32
    %scan3A_7 = arith.addi %scan3A_5, %scan3A_6 : i32
    %scan3A_8 = arith.constant 1 : i32
    scf.for %scan3A_15 = %scan3A_5 to %scan3A_7 step %scan3A_8  : i32 {
      %mul3A_16 = arith.constant 128 : i32
      %mul3A_17 = arith.muli %scan3A_15, %mul3A_16 : i32
      %add3A_18 = arith.addi %mul3A_4, %mul3A_17 : i32
      "tpu.region"() ({
        %run_scoped3A = tpu.sem_alloc : memref<!tpu.dma_semaphore, #tpu.memory_space<semaphore_mem>>
        %dma_start3A_23 = tpu.memref_slice %arg3[%add3A_18] : memref<323584xi32, #tpu.memory_space<hbm>> -> memref<128xi32, #tpu.memory_space<hbm>>
        %dma_start3A_24 = tpu.memref_slice %arg3[%add3A_18] : memref<323584xi32, #tpu.memory_space<hbm>> -> memref<128xi32, #tpu.memory_space<hbm>>
        tpu.enqueue_dma source(%dma_start3A_24 : memref<128xi32, #tpu.memory_space<hbm>>) target(%arg7 : memref<128xi32, #tpu.memory_space<vmem>>) target_semaphore(%run_scoped3A : memref<!tpu.dma_semaphore, #tpu.memory_space<semaphore_mem>>)
        %dma_wait3A_25 = tpu.memref_slice %arg3[%add3A_18] : memref<323584xi32, #tpu.memory_space<hbm>> -> memref<128xi32, #tpu.memory_space<hbm>>
        %dma_wait3A_26 = tpu.memref_slice %arg3[%add3A_18] : memref<323584xi32, #tpu.memory_space<hbm>> -> memref<128xi32, #tpu.memory_space<hbm>>
        tpu.wait_dma2 semaphore(%run_scoped3A : memref<!tpu.dma_semaphore, #tpu.memory_space<semaphore_mem>>) src(%dma_wait3A_26 : memref<128xi32, #tpu.memory_space<hbm>>) dst(%arg7 : memref<128xi32, #tpu.memory_space<vmem>>)
        tpu.yield
      }) : () -> ()
      "tpu.region"() ({
        %run_scoped3A = tpu.sem_alloc : memref<!tpu.dma_semaphore, #tpu.memory_space<semaphore_mem>>
        %dma_start3A_23 = tpu.memref_slice %arg4[%add3A_18] : memref<323584xi32, #tpu.memory_space<hbm>> -> memref<128xi32, #tpu.memory_space<hbm>>
        %dma_start3A_24 = tpu.memref_slice %arg4[%add3A_18] : memref<323584xi32, #tpu.memory_space<hbm>> -> memref<128xi32, #tpu.memory_space<hbm>>
        tpu.enqueue_dma source(%dma_start3A_24 : memref<128xi32, #tpu.memory_space<hbm>>) target(%arg8 : memref<128xi32, #tpu.memory_space<vmem>>) target_semaphore(%run_scoped3A : memref<!tpu.dma_semaphore, #tpu.memory_space<semaphore_mem>>)
        %dma_wait3A_25 = tpu.memref_slice %arg4[%add3A_18] : memref<323584xi32, #tpu.memory_space<hbm>> -> memref<128xi32, #tpu.memory_space<hbm>>
        %dma_wait3A_26 = tpu.memref_slice %arg4[%add3A_18] : memref<323584xi32, #tpu.memory_space<hbm>> -> memref<128xi32, #tpu.memory_space<hbm>>
        tpu.wait_dma2 semaphore(%run_scoped3A : memref<!tpu.dma_semaphore, #tpu.memory_space<semaphore_mem>>) src(%dma_wait3A_26 : memref<128xi32, #tpu.memory_space<hbm>>) dst(%arg8 : memref<128xi32, #tpu.memory_space<vmem>>)
        tpu.yield
      }) : () -> ()
      %dma_start3A = arith.constant 0 : i32
      %dma_start3A_19 = arith.constant 0 : i32
      %dma_start3A_20 = tpu.memref_slice %arg2[%dma_start3A, %dma_start3A_19] : memref<10000x128xf32, #tpu.memory_space<hbm>> -> memref<10000x128xf32, #tpu.memory_space<hbm>>
      tpu.enqueue_indirect_dma source(%dma_start3A_20 : memref<10000x128xf32, #tpu.memory_space<hbm>>) target(%arg9 : memref<128x128xf32, #tpu.memory_space<vmem>>) offsets(%arg7 : memref<128xi32, #tpu.memory_space<vmem>>) semaphore(%arg11 : memref<!tpu.dma_semaphore, #tpu.memory_space<semaphore_mem>>)
      %dma_wait3A = arith.constant 0 : i32
      %dma_wait3A_21 = arith.constant 0 : i32
      %dma_wait3A_22 = tpu.memref_slice %arg2[%dma_wait3A, %dma_wait3A_21] : memref<10000x128xf32, #tpu.memory_space<hbm>> -> memref<10000x128xf32, #tpu.memory_space<hbm>>
      tpu.wait_indirect_dma semaphore(%arg11 : memref<!tpu.dma_semaphore, #tpu.memory_space<semaphore_mem>>) src(%dma_wait3A_22 : memref<10000x128xf32, #tpu.memory_space<hbm>>) dst(%arg9 : memref<128x128xf32, #tpu.memory_space<vmem>>)
      "tpu.region"() ({
        %run_scoped3A = tpu.sem_alloc : memref<!tpu.dma_semaphore, #tpu.memory_space<semaphore_mem>>
        %dma_start3A_23 = arith.constant 0 : i32
        %dma_start3A_24 = arith.constant 0 : i32
        %dma_start3A_25 = tpu.memref_slice %arg10[%dma_start3A_23, %dma_start3A_24] : memref<10112x128xf32, #tpu.memory_space<vmem_shared>> -> memref<10112x128xf32, #tpu.memory_space<vmem_shared>>
        tpu.enqueue_indirect_dma source(%arg9 : memref<128x128xf32, #tpu.memory_space<vmem>>) target(%dma_start3A_25 : memref<10112x128xf32, #tpu.memory_space<vmem_shared>>) offsets(%arg8 : memref<128xi32, #tpu.memory_space<vmem>>) semaphore(%run_scoped3A : memref<!tpu.dma_semaphore, #tpu.memory_space<semaphore_mem>>) {add = true}
        %dma_wait3A_26 = arith.constant 0 : i32
        %dma_wait3A_27 = arith.constant 0 : i32
        %dma_wait3A_28 = tpu.memref_slice %arg10[%dma_wait3A_26, %dma_wait3A_27] : memref<10112x128xf32, #tpu.memory_space<vmem_shared>> -> memref<10112x128xf32, #tpu.memory_space<vmem_shared>>
        tpu.wait_indirect_dma semaphore(%run_scoped3A : memref<!tpu.dma_semaphore, #tpu.memory_space<semaphore_mem>>) src(%arg9 : memref<128x128xf32, #tpu.memory_space<vmem>>) dst(%dma_wait3A_28 : memref<10112x128xf32, #tpu.memory_space<vmem_shared>>)
        tpu.yield
      }) : () -> ()
    }
    %scan3A_9 = arith.constant 79 : i32
    %barrier3A_10 = arith.constant 0 : index
    tpu.barrier barrier_id(%barrier3A_10)
    %mul3A_11 = arith.constant 632 : i32
    %mul3A_12 = arith.muli %arg1, %mul3A_11 : i32
    %mul3A_13 = arith.constant 632 : i32
    %mul3A_14 = arith.muli %arg1, %mul3A_13 : i32
    "tpu.region"() ({
      %run_scoped3A = tpu.sem_alloc : memref<!tpu.dma_semaphore, #tpu.memory_space<semaphore_mem>>
      %dma_start3A = arith.constant 0 : i32
      %dma_start3A_15 = tpu.memref_slice %arg6[%arg0, %mul3A_14, %dma_start3A] : memref<2x10112x128xf32, #tpu.memory_space<hbm>> -> memref<1x632x128xf32, #tpu.memory_space<hbm>>
      %dma_start3A_16 = tpu.memref_squeeze %dma_start3A_15 : memref<1x632x128xf32, #tpu.memory_space<hbm>> -> memref<632x128xf32, #tpu.memory_space<hbm>>
      %dma_start3A_17 = arith.constant 0 : i32
      %dma_start3A_18 = tpu.memref_slice %arg10[%mul3A_12, %dma_start3A_17] : memref<10112x128xf32, #tpu.memory_space<vmem_shared>> -> memref<632x128xf32, #tpu.memory_space<vmem_shared>>
      tpu.enqueue_dma source(%dma_start3A_18 : memref<632x128xf32, #tpu.memory_space<vmem_shared>>) target(%dma_start3A_16 : memref<632x128xf32, #tpu.memory_space<hbm>>) target_semaphore(%run_scoped3A : memref<!tpu.dma_semaphore, #tpu.memory_space<semaphore_mem>>)
      %dma_wait3A = arith.constant 0 : i32
      %dma_wait3A_19 = tpu.memref_slice %arg6[%arg0, %mul3A_14, %dma_wait3A] : memref<2x10112x128xf32, #tpu.memory_space<hbm>> -> memref<1x632x128xf32, #tpu.memory_space<hbm>>
      %dma_wait3A_20 = tpu.memref_squeeze %dma_wait3A_19 : memref<1x632x128xf32, #tpu.memory_space<hbm>> -> memref<632x128xf32, #tpu.memory_space<hbm>>
      %dma_wait3A_21 = arith.constant 0 : i32
      %dma_wait3A_22 = tpu.memref_slice %arg10[%mul3A_12, %dma_wait3A_21] : memref<10112x128xf32, #tpu.memory_space<vmem_shared>> -> memref<632x128xf32, #tpu.memory_space<vmem_shared>>
      tpu.wait_dma2 semaphore(%run_scoped3A : memref<!tpu.dma_semaphore, #tpu.memory_space<semaphore_mem>>) src(%dma_wait3A_22 : memref<632x128xf32, #tpu.memory_space<vmem_shared>>) dst(%dma_wait3A_20 : memref<632x128xf32, #tpu.memory_space<hbm>>)
      tpu.yield
    }) : () -> ()
    return
  }
}

#map = affine_map<(d0, d1) -> (0, 0)>
#map1 = affine_map<(d0, d1) -> (0)>
#map2 = affine_map<(d0, d1) -> (0, 0, 0)>
module attributes {stable_mosaic.version = 14 : i64} {
  func.func @edge_pass(%arg0: i32, %arg1: i32, %arg2: memref<10000x128xf32, #tpu.memory_space<hbm>>, %arg3: memref<323584xi32, #tpu.memory_space<hbm>>, %arg4: memref<323584xi32, #tpu.memory_space<hbm>>, %arg5: memref<632x128xf32, #tpu.memory_space<hbm>>, %arg6: memref<2x10112x128xf32, #tpu.memory_space<hbm>>, %arg7: memref<128xi32, #tpu.memory_space<vmem>>, %arg8: memref<128xi32, #tpu.memory_space<vmem>>, %arg9: memref<128x128xf32, #tpu.memory_space<vmem>>, %arg10: memref<10112x128xf32, #tpu.memory_space<vmem_shared>>, %arg11: memref<!tpu.dma_semaphore, #tpu.memory_space<semaphore_mem>>) attributes {dimension_semantics = [#tpu.dimension_semantics<core_parallel>, #tpu.dimension_semantics<subcore_parallel>], iteration_bounds = array<i64: 2, 16>, scalar_prefetch = 0 : i64, scratch_operands = 5 : i64, tpu.core_type = #tpu.core_type<sc_vector_subcore>, window_params = [{transform_indices = #map}, {transform_indices = #map1}, {transform_indices = #map1}, {transform_indices = #map}, {transform_indices = #map2}]} {
    %mul3A = arith.constant 16 : i32
    %mul3A_0 = arith.muli %arg0, %mul3A : i32
    %add3A = arith.addi %mul3A_0, %arg1 : i32
    %mul3A_1 = arith.constant 632 : i32
    %mul3A_2 = arith.muli %arg1, %mul3A_1 : i32
    "tpu.region"() ({
      %run_scoped3A = tpu.sem_alloc : memref<!tpu.dma_semaphore, #tpu.memory_space<semaphore_mem>>
      %dma_start3A = arith.constant 0 : i32
      %dma_start3A_15 = tpu.memref_slice %arg10[%mul3A_2, %dma_start3A] : memref<10112x128xf32, #tpu.memory_space<vmem_shared>> -> memref<632x128xf32, #tpu.memory_space<vmem_shared>>
      tpu.enqueue_dma source(%arg5 : memref<632x128xf32, #tpu.memory_space<hbm>>) target(%dma_start3A_15 : memref<632x128xf32, #tpu.memory_space<vmem_shared>>) target_semaphore(%run_scoped3A : memref<!tpu.dma_semaphore, #tpu.memory_space<semaphore_mem>>)
      %dma_wait3A = arith.constant 0 : i32
      %dma_wait3A_16 = tpu.memref_slice %arg10[%mul3A_2, %dma_wait3A] : memref<10112x128xf32, #tpu.memory_space<vmem_shared>> -> memref<632x128xf32, #tpu.memory_space<vmem_shared>>
      tpu.wait_dma2 semaphore(%run_scoped3A : memref<!tpu.dma_semaphore, #tpu.memory_space<semaphore_mem>>) src(%arg5 : memref<632x128xf32, #tpu.memory_space<hbm>>) dst(%dma_wait3A_16 : memref<632x128xf32, #tpu.memory_space<vmem_shared>>)
      tpu.yield
    }) : () -> ()
    %barrier3A = arith.constant 0 : index
    tpu.barrier barrier_id(%barrier3A)
    %mul3A_3 = arith.constant 10112 : i32
    %mul3A_4 = arith.muli %add3A, %mul3A_3 : i32
    %scan3A = arith.constant 0 : i32
    %scan3A_5 = arith.constant 0 : i32
    %scan3A_6 = arith.constant 79 : i32
    %scan3A_7 = arith.addi %scan3A_5, %scan3A_6 : i32
    %scan3A_8 = arith.constant 1 : i32
    scf.for %scan3A_15 = %scan3A_5 to %scan3A_7 step %scan3A_8  : i32 {
      %mul3A_16 = arith.constant 128 : i32
      %mul3A_17 = arith.muli %scan3A_15, %mul3A_16 : i32
      %add3A_18 = arith.addi %mul3A_4, %mul3A_17 : i32
      "tpu.region"() ({
        %run_scoped3A = tpu.sem_alloc : memref<!tpu.dma_semaphore, #tpu.memory_space<semaphore_mem>>
        %dma_start3A_23 = tpu.memref_slice %arg3[%add3A_18] : memref<323584xi32, #tpu.memory_space<hbm>> -> memref<128xi32, #tpu.memory_space<hbm>>
        %dma_start3A_24 = tpu.memref_slice %arg3[%add3A_18] : memref<323584xi32, #tpu.memory_space<hbm>> -> memref<128xi32, #tpu.memory_space<hbm>>
        tpu.enqueue_dma source(%dma_start3A_24 : memref<128xi32, #tpu.memory_space<hbm>>) target(%arg7 : memref<128xi32, #tpu.memory_space<vmem>>) target_semaphore(%run_scoped3A : memref<!tpu.dma_semaphore, #tpu.memory_space<semaphore_mem>>)
        %dma_wait3A_25 = tpu.memref_slice %arg3[%add3A_18] : memref<323584xi32, #tpu.memory_space<hbm>> -> memref<128xi32, #tpu.memory_space<hbm>>
        %dma_wait3A_26 = tpu.memref_slice %arg3[%add3A_18] : memref<323584xi32, #tpu.memory_space<hbm>> -> memref<128xi32, #tpu.memory_space<hbm>>
        tpu.wait_dma2 semaphore(%run_scoped3A : memref<!tpu.dma_semaphore, #tpu.memory_space<semaphore_mem>>) src(%dma_wait3A_26 : memref<128xi32, #tpu.memory_space<hbm>>) dst(%arg7 : memref<128xi32, #tpu.memory_space<vmem>>)
        tpu.yield
      }) : () -> ()
      "tpu.region"() ({
        %run_scoped3A = tpu.sem_alloc : memref<!tpu.dma_semaphore, #tpu.memory_space<semaphore_mem>>
        %dma_start3A_23 = tpu.memref_slice %arg4[%add3A_18] : memref<323584xi32, #tpu.memory_space<hbm>> -> memref<128xi32, #tpu.memory_space<hbm>>
        %dma_start3A_24 = tpu.memref_slice %arg4[%add3A_18] : memref<323584xi32, #tpu.memory_space<hbm>> -> memref<128xi32, #tpu.memory_space<hbm>>
        tpu.enqueue_dma source(%dma_start3A_24 : memref<128xi32, #tpu.memory_space<hbm>>) target(%arg8 : memref<128xi32, #tpu.memory_space<vmem>>) target_semaphore(%run_scoped3A : memref<!tpu.dma_semaphore, #tpu.memory_space<semaphore_mem>>)
        %dma_wait3A_25 = tpu.memref_slice %arg4[%add3A_18] : memref<323584xi32, #tpu.memory_space<hbm>> -> memref<128xi32, #tpu.memory_space<hbm>>
        %dma_wait3A_26 = tpu.memref_slice %arg4[%add3A_18] : memref<323584xi32, #tpu.memory_space<hbm>> -> memref<128xi32, #tpu.memory_space<hbm>>
        tpu.wait_dma2 semaphore(%run_scoped3A : memref<!tpu.dma_semaphore, #tpu.memory_space<semaphore_mem>>) src(%dma_wait3A_26 : memref<128xi32, #tpu.memory_space<hbm>>) dst(%arg8 : memref<128xi32, #tpu.memory_space<vmem>>)
        tpu.yield
      }) : () -> ()
      %dma_start3A = arith.constant 0 : i32
      %dma_start3A_19 = arith.constant 0 : i32
      %dma_start3A_20 = tpu.memref_slice %arg2[%dma_start3A, %dma_start3A_19] : memref<10000x128xf32, #tpu.memory_space<hbm>> -> memref<10000x128xf32, #tpu.memory_space<hbm>>
      tpu.enqueue_indirect_dma source(%dma_start3A_20 : memref<10000x128xf32, #tpu.memory_space<hbm>>) target(%arg9 : memref<128x128xf32, #tpu.memory_space<vmem>>) offsets(%arg7 : memref<128xi32, #tpu.memory_space<vmem>>) semaphore(%arg11 : memref<!tpu.dma_semaphore, #tpu.memory_space<semaphore_mem>>)
      %dma_wait3A = arith.constant 0 : i32
      %dma_wait3A_21 = arith.constant 0 : i32
      %dma_wait3A_22 = tpu.memref_slice %arg2[%dma_wait3A, %dma_wait3A_21] : memref<10000x128xf32, #tpu.memory_space<hbm>> -> memref<10000x128xf32, #tpu.memory_space<hbm>>
      tpu.wait_indirect_dma semaphore(%arg11 : memref<!tpu.dma_semaphore, #tpu.memory_space<semaphore_mem>>) src(%dma_wait3A_22 : memref<10000x128xf32, #tpu.memory_space<hbm>>) dst(%arg9 : memref<128x128xf32, #tpu.memory_space<vmem>>)
      "tpu.region"() ({
        %run_scoped3A = tpu.sem_alloc : memref<!tpu.dma_semaphore, #tpu.memory_space<semaphore_mem>>
        %dma_start3A_23 = arith.constant 0 : i32
        %dma_start3A_24 = arith.constant 0 : i32
        %dma_start3A_25 = tpu.memref_slice %arg10[%dma_start3A_23, %dma_start3A_24] : memref<10112x128xf32, #tpu.memory_space<vmem_shared>> -> memref<10112x128xf32, #tpu.memory_space<vmem_shared>>
        tpu.enqueue_indirect_dma source(%arg9 : memref<128x128xf32, #tpu.memory_space<vmem>>) target(%dma_start3A_25 : memref<10112x128xf32, #tpu.memory_space<vmem_shared>>) offsets(%arg8 : memref<128xi32, #tpu.memory_space<vmem>>) semaphore(%run_scoped3A : memref<!tpu.dma_semaphore, #tpu.memory_space<semaphore_mem>>) {add = true}
        %dma_wait3A_26 = arith.constant 0 : i32
        %dma_wait3A_27 = arith.constant 0 : i32
        %dma_wait3A_28 = tpu.memref_slice %arg10[%dma_wait3A_26, %dma_wait3A_27] : memref<10112x128xf32, #tpu.memory_space<vmem_shared>> -> memref<10112x128xf32, #tpu.memory_space<vmem_shared>>
        tpu.wait_indirect_dma semaphore(%run_scoped3A : memref<!tpu.dma_semaphore, #tpu.memory_space<semaphore_mem>>) src(%arg9 : memref<128x128xf32, #tpu.memory_space<vmem>>) dst(%dma_wait3A_28 : memref<10112x128xf32, #tpu.memory_space<vmem_shared>>)
        tpu.yield
      }) : () -> ()
    }
    %scan3A_9 = arith.constant 79 : i32
    %barrier3A_10 = arith.constant 0 : index
    tpu.barrier barrier_id(%barrier3A_10)
    %mul3A_11 = arith.constant 632 : i32
    %mul3A_12 = arith.muli %arg1, %mul3A_11 : i32
    %mul3A_13 = arith.constant 632 : i32
    %mul3A_14 = arith.muli %arg1, %mul3A_13 : i32
    "tpu.region"() ({
      %run_scoped3A = tpu.sem_alloc : memref<!tpu.dma_semaphore, #tpu.memory_space<semaphore_mem>>
      %dma_start3A = arith.constant 0 : i32
      %dma_start3A_15 = tpu.memref_slice %arg6[%arg0, %mul3A_14, %dma_start3A] : memref<2x10112x128xf32, #tpu.memory_space<hbm>> -> memref<1x632x128xf32, #tpu.memory_space<hbm>>
      %dma_start3A_16 = tpu.memref_squeeze %dma_start3A_15 : memref<1x632x128xf32, #tpu.memory_space<hbm>> -> memref<632x128xf32, #tpu.memory_space<hbm>>
      %dma_start3A_17 = arith.constant 0 : i32
      %dma_start3A_18 = tpu.memref_slice %arg10[%mul3A_12, %dma_start3A_17] : memref<10112x128xf32, #tpu.memory_space<vmem_shared>> -> memref<632x128xf32, #tpu.memory_space<vmem_shared>>
      tpu.enqueue_dma source(%dma_start3A_18 : memref<632x128xf32, #tpu.memory_space<vmem_shared>>) target(%dma_start3A_16 : memref<632x128xf32, #tpu.memory_space<hbm>>) target_semaphore(%run_scoped3A : memref<!tpu.dma_semaphore, #tpu.memory_space<semaphore_mem>>)
      %dma_wait3A = arith.constant 0 : i32
      %dma_wait3A_19 = tpu.memref_slice %arg6[%arg0, %mul3A_14, %dma_wait3A] : memref<2x10112x128xf32, #tpu.memory_space<hbm>> -> memref<1x632x128xf32, #tpu.memory_space<hbm>>
      %dma_wait3A_20 = tpu.memref_squeeze %dma_wait3A_19 : memref<1x632x128xf32, #tpu.memory_space<hbm>> -> memref<632x128xf32, #tpu.memory_space<hbm>>
      %dma_wait3A_21 = arith.constant 0 : i32
      %dma_wait3A_22 = tpu.memref_slice %arg10[%mul3A_12, %dma_wait3A_21] : memref<10112x128xf32, #tpu.memory_space<vmem_shared>> -> memref<632x128xf32, #tpu.memory_space<vmem_shared>>
      tpu.wait_dma2 semaphore(%run_scoped3A : memref<!tpu.dma_semaphore, #tpu.memory_space<semaphore_mem>>) src(%dma_wait3A_22 : memref<632x128xf32, #tpu.memory_space<vmem_shared>>) dst(%dma_wait3A_20 : memref<632x128xf32, #tpu.memory_space<hbm>>)
      tpu.yield
    }) : () -> ()
    return
  }
}

module attributes {stable_mosaic.version = 14 : i64} {
  func.func @_prep_body(%arg0: i32, %arg1: memref<2000x128xf32, #tpu.memory_space<vmem>>, %arg2: memref<1x2000x128xf32, #tpu.memory_space<vmem>>, %arg3: memref<1x2000x128xf32, #tpu.memory_space<vmem>>, %arg4: memref<128x128xf32, #tpu.memory_space<vmem>>, %arg5: memref<1x128xf32, #tpu.memory_space<vmem>>, %arg6: memref<128x128xf32, #tpu.memory_space<vmem>>, %arg7: memref<2000x128xf32, #tpu.memory_space<vmem>>, %arg8: memref<2000x128xf32, #tpu.memory_space<vmem>>, %arg9: memref<2000x128xf32, #tpu.memory_space<vmem>>) attributes {dimension_semantics = [#tpu.dimension_semantics<arbitrary>], iteration_bounds = array<i64: 5>, scalar_prefetch = 0 : i64, scratch_operands = 0 : i64, tpu.core_type = #tpu.core_type<tc>, window_params = [{transform_indices = @transform_0, window_bounds = array<i64: 2000, 128>}, {transform_indices = @transform_1, window_bounds = array<i64: 1, 2000, 128>}, {transform_indices = @transform_2, window_bounds = array<i64: 1, 2000, 128>}, {pipeline_mode = #tpu.pipeline_mode<synchronous>, transform_indices = @transform_3, window_bounds = array<i64: 128, 128>}, {pipeline_mode = #tpu.pipeline_mode<synchronous>, transform_indices = @transform_4, window_bounds = array<i64: 1, 128>}, {pipeline_mode = #tpu.pipeline_mode<synchronous>, transform_indices = @transform_5, window_bounds = array<i64: 128, 128>}, {transform_indices = @transform_6, window_bounds = array<i64: 2000, 128>}, {transform_indices = @transform_7, window_bounds = array<i64: 2000, 128>}, {transform_indices = @transform_8, window_bounds = array<i64: 2000, 128>}]} {
    %get3A = arith.constant 0 : index
    %get3A_0 = arith.constant 0 : index
    %get3A_1 = vector.load %arg1[%get3A, %get3A_0] : memref<2000x128xf32, #tpu.memory_space<vmem>>, vector<2000x128xf32>
    %get3A_2 = arith.constant 0 : index
    %get3A_3 = arith.constant 0 : index
    %get3A_4 = vector.load %arg4[%get3A_2, %get3A_3] : memref<128x128xf32, #tpu.memory_space<vmem>>, vector<128x128xf32>
    %dot_general3A = arith.constant dense<0.000000e+00> : vector<2000x128xf32>
    %dot_general3A_5 = tpu.matmul %get3A_1, %get3A_4, %dot_general3A {dimension_numbers = #tpu.dot_dimension_numbers<[1], [0], [0], [1], [0, 0, 1, 1], [], []>, precision = #tpu.contract_precision<fp32>, transpose_lhs_hint = false} : vector<2000x128xf32>, vector<128x128xf32>, vector<2000x128xf32> -> vector<2000x128xf32>
    %get3A_6 = arith.constant 0 : index
    %get3A_7 = arith.constant 0 : index
    %get3A_8 = vector.load %arg5[%get3A_6, %get3A_7] : memref<1x128xf32, #tpu.memory_space<vmem>>, vector<1x128xf32>
    %add3A = vector.broadcast %get3A_8 : vector<1x128xf32> to vector<2000x128xf32>
    %add3A_9 = arith.addf %dot_general3A_5, %add3A : vector<2000x128xf32>
    %get3A_10 = arith.constant 0 : index
    %get3A_11 = arith.constant 0 : index
    %get3A_12 = arith.constant 0 : index
    %get3A_13 = vector.load %arg2[%get3A_10, %get3A_11, %get3A_12] : memref<1x2000x128xf32, #tpu.memory_space<vmem>>, vector<1x2000x1xf32>
    %get3A_14 = vector.shape_cast %get3A_13 : vector<1x2000x1xf32> to vector<2000x1xf32>
    %get3A_15 = arith.constant 0 : index
    %get3A_16 = arith.constant 0 : index
    %get3A_17 = arith.constant 0 : index
    %get3A_18 = vector.load %arg3[%get3A_15, %get3A_16, %get3A_17] : memref<1x2000x128xf32, #tpu.memory_space<vmem>>, vector<1x2000x1xf32>
    %get3A_19 = vector.shape_cast %get3A_18 : vector<1x2000x1xf32> to vector<2000x1xf32>
    %add3A_20 = arith.addf %get3A_14, %get3A_19 : vector<2000x1xf32>
    %add3A_21 = arith.constant 1.000000e+00 : f32
    %add3A_22 = vector.broadcast %add3A_21 : f32 to vector<2000x1xf32>
    %add3A_23 = arith.addf %add3A_20, %add3A_22 : vector<2000x1xf32>
    %rsqrt3A = math.rsqrt %add3A_23 : vector<2000x1xf32>
    %swap3A = arith.constant 0 : index
    %swap3A_24 = arith.constant 0 : index
    %swap3A_25 = vector.load %arg7[%swap3A, %swap3A_24] : memref<2000x128xf32, #tpu.memory_space<vmem>>, vector<2000x128xf32>
    tpu.vector_store %arg7[%swap3A, %swap3A_24], %add3A_9 {strides = array<i32>} : memref<2000x128xf32, #tpu.memory_space<vmem>>, vector<2000x128xf32>,
    %broadcast_in_dim3A = vector.shape_cast %rsqrt3A : vector<2000x1xf32> to vector<2000x1xf32>
    %broadcast_in_dim3A_26 = vector.broadcast %broadcast_in_dim3A : vector<2000x1xf32> to vector<2000x128xf32>
    %swap3A_27 = arith.constant 0 : index
    %swap3A_28 = arith.constant 0 : index
    %swap3A_29 = vector.load %arg9[%swap3A_27, %swap3A_28] : memref<2000x128xf32, #tpu.memory_space<vmem>>, vector<2000x128xf32>
    tpu.vector_store %arg9[%swap3A_27, %swap3A_28], %broadcast_in_dim3A_26 {strides = array<i32>} : memref<2000x128xf32, #tpu.memory_space<vmem>>, vector<2000x128xf32>,
    %get3A_30 = arith.constant 0 : index
    %get3A_31 = arith.constant 0 : index
    %get3A_32 = vector.load %arg6[%get3A_30, %get3A_31] : memref<128x128xf32, #tpu.memory_space<vmem>>, vector<128x128xf32>
    %dot_general3A_33 = arith.constant dense<0.000000e+00> : vector<2000x128xf32>
    %dot_general3A_34 = tpu.matmul %add3A_9, %get3A_32, %dot_general3A_33 {dimension_numbers = #tpu.dot_dimension_numbers<[1], [0], [0], [1], [0, 0, 1, 1], [], []>, precision = #tpu.contract_precision<fp32>, transpose_lhs_hint = false} : vector<2000x128xf32>, vector<128x128xf32>, vector<2000x128xf32> -> vector<2000x128xf32>
    %mul3A = vector.broadcast %rsqrt3A : vector<2000x1xf32> to vector<2000x128xf32>
    %mul3A_35 = arith.mulf %dot_general3A_34, %mul3A : vector<2000x128xf32>
    %swap3A_36 = arith.constant 0 : index
    %swap3A_37 = arith.constant 0 : index
    %swap3A_38 = vector.load %arg8[%swap3A_36, %swap3A_37] : memref<2000x128xf32, #tpu.memory_space<vmem>>, vector<2000x128xf32>
    tpu.vector_store %arg8[%swap3A_36, %swap3A_37], %mul3A_35 {strides = array<i32>} : memref<2000x128xf32, #tpu.memory_space<vmem>>, vector<2000x128xf32>,
    return
  }
  func.func @transform_0(%arg0: i32) -> (i32, i32) {
    %c0_i32 = arith.constant 0 : i32
    %c0_i32_0 = arith.constant 0 : i32
    return %arg0, %c0_i32 : i32, i32
  }
  func.func @transform_1(%arg0: i32) -> (i32, i32, i32) {
    %c0_i32 = arith.constant 0 : i32
    %c0_i32_0 = arith.constant 0 : i32
    %c0_i32_1 = arith.constant 0 : i32
    return %c0_i32, %arg0, %c0_i32_0 : i32, i32, i32
  }
  func.func @transform_2(%arg0: i32) -> (i32, i32, i32) {
    %c1_i32 = arith.constant 1 : i32
    %c0_i32 = arith.constant 0 : i32
    %c0_i32_0 = arith.constant 0 : i32
    return %c1_i32, %arg0, %c0_i32 : i32, i32, i32
  }
  func.func @transform_3(%arg0: i32) -> (i32, i32) {
    %c0_i32 = arith.constant 0 : i32
    %c0_i32_0 = arith.constant 0 : i32
    %c0_i32_1 = arith.constant 0 : i32
    return %c0_i32, %c0_i32_0 : i32, i32
  }
  func.func @transform_4(%arg0: i32) -> (i32, i32) {
    %c0_i32 = arith.constant 0 : i32
    %c0_i32_0 = arith.constant 0 : i32
    %c0_i32_1 = arith.constant 0 : i32
    return %c0_i32, %c0_i32_0 : i32, i32
  }
  func.func @transform_5(%arg0: i32) -> (i32, i32) {
    %c0_i32 = arith.constant 0 : i32
    %c0_i32_0 = arith.constant 0 : i32
    %c0_i32_1 = arith.constant 0 : i32
    return %c0_i32, %c0_i32_0 : i32, i32
  }
  func.func @transform_6(%arg0: i32) -> (i32, i32) {
    %c0_i32 = arith.constant 0 : i32
    %c0_i32_0 = arith.constant 0 : i32
    return %arg0, %c0_i32 : i32, i32
  }
  func.func @transform_7(%arg0: i32) -> (i32, i32) {
    %c0_i32 = arith.constant 0 : i32
    %c0_i32_0 = arith.constant 0 : i32
    return %arg0, %c0_i32 : i32, i32
  }
  func.func @transform_8(%arg0: i32) -> (i32, i32) {
    %c0_i32 = arith.constant 0 : i32
    %c0_i32_0 = arith.constant 0 : i32
    return %arg0, %c0_i32 : i32, i32
  }
}

module attributes {stable_mosaic.version = 14 : i64} {
  func.func @mid_body(%arg0: i32, %arg1: memref<1x2000x128xf32, #tpu.memory_space<vmem>>, %arg2: memref<1x2000x128xf32, #tpu.memory_space<vmem>>, %arg3: memref<2000x128xf32, #tpu.memory_space<vmem>>, %arg4: memref<2000x128xf32, #tpu.memory_space<vmem>>, %arg5: memref<1x128xf32, #tpu.memory_space<vmem>>, %arg6: memref<128x128xf32, #tpu.memory_space<vmem>>, %arg7: memref<2000x128xf32, #tpu.memory_space<vmem>>, %arg8: memref<2000x128xf32, #tpu.memory_space<vmem>>) attributes {dimension_semantics = [#tpu.dimension_semantics<arbitrary>], iteration_bounds = array<i64: 5>, scalar_prefetch = 0 : i64, scratch_operands = 0 : i64, tpu.core_type = #tpu.core_type<tc>, window_params = [{transform_indices = @transform_0, window_bounds = array<i64: 1, 2000, 128>}, {transform_indices = @transform_1, window_bounds = array<i64: 1, 2000, 128>}, {transform_indices = @transform_2, window_bounds = array<i64: 2000, 128>}, {transform_indices = @transform_3, window_bounds = array<i64: 2000, 128>}, {pipeline_mode = #tpu.pipeline_mode<synchronous>, transform_indices = @transform_4, window_bounds = array<i64: 1, 128>}, {pipeline_mode = #tpu.pipeline_mode<synchronous>, transform_indices = @transform_5, window_bounds = array<i64: 128, 128>}, {transform_indices = @transform_6, window_bounds = array<i64: 2000, 128>}, {transform_indices = @transform_7, window_bounds = array<i64: 2000, 128>}]} {
    %get3A = arith.constant 0 : index
    %get3A_0 = arith.constant 0 : index
    %get3A_1 = vector.load %arg4[%get3A, %get3A_0] : memref<2000x128xf32, #tpu.memory_space<vmem>>, vector<2000x128xf32>
    %get3A_2 = arith.constant 0 : index
    %get3A_3 = arith.constant 0 : index
    %get3A_4 = arith.constant 0 : index
    %get3A_5 = vector.load %arg1[%get3A_2, %get3A_3, %get3A_4] : memref<1x2000x128xf32, #tpu.memory_space<vmem>>, vector<1x2000x128xf32>
    %get3A_6 = vector.shape_cast %get3A_5 : vector<1x2000x128xf32> to vector<2000x128xf32>
    %get3A_7 = arith.constant 0 : index
    %get3A_8 = arith.constant 0 : index
    %get3A_9 = arith.constant 0 : index
    %get3A_10 = vector.load %arg2[%get3A_7, %get3A_8, %get3A_9] : memref<1x2000x128xf32, #tpu.memory_space<vmem>>, vector<1x2000x128xf32>
    %get3A_11 = vector.shape_cast %get3A_10 : vector<1x2000x128xf32> to vector<2000x128xf32>
    %add3A = arith.addf %get3A_6, %get3A_11 : vector<2000x128xf32>
    %get3A_12 = arith.constant 0 : index
    %get3A_13 = arith.constant 0 : index
    %get3A_14 = vector.load %arg3[%get3A_12, %get3A_13] : memref<2000x128xf32, #tpu.memory_space<vmem>>, vector<2000x128xf32>
    %add3A_15 = arith.addf %add3A, %get3A_14 : vector<2000x128xf32>
    %mul3A = arith.mulf %add3A_15, %get3A_1 : vector<2000x128xf32>
    %get3A_16 = arith.constant 0 : index
    %get3A_17 = arith.constant 0 : index
    %get3A_18 = vector.load %arg5[%get3A_16, %get3A_17] : memref<1x128xf32, #tpu.memory_space<vmem>>, vector<1x128xf32>
    %add3A_19 = vector.broadcast %get3A_18 : vector<1x128xf32> to vector<2000x128xf32>
    %add3A_20 = arith.addf %mul3A, %add3A_19 : vector<2000x128xf32>
    %gt3A = arith.constant 0.000000e+00 : f32
    %gt3A_21 = vector.broadcast %gt3A : f32 to vector<2000x128xf32>
    %gt3A_22 = arith.cmpf ogt, %add3A_20, %gt3A_21 : vector<2000x128xf32>
    %mul3A_23 = arith.constant 2.000000e-01 : f32
    %mul3A_24 = vector.broadcast %mul3A_23 : f32 to vector<2000x128xf32>
    %mul3A_25 = arith.mulf %mul3A_24, %add3A_20 : vector<2000x128xf32>
    %select_n3A = arith.select %gt3A_22, %add3A_20, %mul3A_25 : vector<2000x128xi1>, vector<2000x128xf32>
    %swap3A = arith.constant 0 : index
    %swap3A_26 = arith.constant 0 : index
    %swap3A_27 = vector.load %arg7[%swap3A, %swap3A_26] : memref<2000x128xf32, #tpu.memory_space<vmem>>, vector<2000x128xf32>
    tpu.vector_store %arg7[%swap3A, %swap3A_26], %select_n3A {strides = array<i32>} : memref<2000x128xf32, #tpu.memory_space<vmem>>, vector<2000x128xf32>,
    %get3A_28 = arith.constant 0 : index
    %get3A_29 = arith.constant 0 : index
    %get3A_30 = vector.load %arg6[%get3A_28, %get3A_29] : memref<128x128xf32, #tpu.memory_space<vmem>>, vector<128x128xf32>
    %dot_general3A = arith.constant dense<0.000000e+00> : vector<2000x128xf32>
    %dot_general3A_31 = tpu.matmul %select_n3A, %get3A_30, %dot_general3A {dimension_numbers = #tpu.dot_dimension_numbers<[1], [0], [0], [1], [0, 0, 1, 1], [], []>, precision = #tpu.contract_precision<fp32>, transpose_lhs_hint = false} : vector<2000x128xf32>, vector<128x128xf32>, vector<2000x128xf32> -> vector<2000x128xf32>
    %mul3A_32 = arith.mulf %dot_general3A_31, %get3A_1 : vector<2000x128xf32>
    %swap3A_33 = arith.constant 0 : index
    %swap3A_34 = arith.constant 0 : index
    %swap3A_35 = vector.load %arg8[%swap3A_33, %swap3A_34] : memref<2000x128xf32, #tpu.memory_space<vmem>>, vector<2000x128xf32>
    tpu.vector_store %arg8[%swap3A_33, %swap3A_34], %mul3A_32 {strides = array<i32>} : memref<2000x128xf32, #tpu.memory_space<vmem>>, vector<2000x128xf32>,
    return
  }
  func.func @transform_0(%arg0: i32) -> (i32, i32, i32) {
    %c0_i32 = arith.constant 0 : i32
    %c0_i32_0 = arith.constant 0 : i32
    %c0_i32_1 = arith.constant 0 : i32
    return %c0_i32, %arg0, %c0_i32_0 : i32, i32, i32
  }
  func.func @transform_1(%arg0: i32) -> (i32, i32, i32) {
    %c1_i32 = arith.constant 1 : i32
    %c0_i32 = arith.constant 0 : i32
    %c0_i32_0 = arith.constant 0 : i32
    return %c1_i32, %arg0, %c0_i32 : i32, i32, i32
  }
  func.func @transform_2(%arg0: i32) -> (i32, i32) {
    %c0_i32 = arith.constant 0 : i32
    %c0_i32_0 = arith.constant 0 : i32
    return %arg0, %c0_i32 : i32, i32
  }
  func.func @transform_3(%arg0: i32) -> (i32, i32) {
    %c0_i32 = arith.constant 0 : i32
    %c0_i32_0 = arith.constant 0 : i32
    return %arg0, %c0_i32 : i32, i32
  }
  func.func @transform_4(%arg0: i32) -> (i32, i32) {
    %c0_i32 = arith.constant 0 : i32
    %c0_i32_0 = arith.constant 0 : i32
    %c0_i32_1 = arith.constant 0 : i32
    return %c0_i32, %c0_i32_0 : i32, i32
  }
  func.func @transform_5(%arg0: i32) -> (i32, i32) {
    %c0_i32 = arith.constant 0 : i32
    %c0_i32_0 = arith.constant 0 : i32
    %c0_i32_1 = arith.constant 0 : i32
    return %c0_i32, %c0_i32_0 : i32, i32
  }
  func.func @transform_6(%arg0: i32) -> (i32, i32) {
    %c0_i32 = arith.constant 0 : i32
    %c0_i32_0 = arith.constant 0 : i32
    return %arg0, %c0_i32 : i32, i32
  }
  func.func @transform_7(%arg0: i32) -> (i32, i32) {
    %c0_i32 = arith.constant 0 : i32
    %c0_i32_0 = arith.constant 0 : i32
    return %arg0, %c0_i32 : i32, i32
  }
}

module attributes {stable_mosaic.version = 14 : i64} {
  func.func @mid_body(%arg0: i32, %arg1: memref<1x2000x128xf32, #tpu.memory_space<vmem>>, %arg2: memref<1x2000x128xf32, #tpu.memory_space<vmem>>, %arg3: memref<2000x128xf32, #tpu.memory_space<vmem>>, %arg4: memref<2000x128xf32, #tpu.memory_space<vmem>>, %arg5: memref<1x128xf32, #tpu.memory_space<vmem>>, %arg6: memref<128x128xf32, #tpu.memory_space<vmem>>, %arg7: memref<2000x128xf32, #tpu.memory_space<vmem>>, %arg8: memref<2000x128xf32, #tpu.memory_space<vmem>>) attributes {dimension_semantics = [#tpu.dimension_semantics<arbitrary>], iteration_bounds = array<i64: 5>, scalar_prefetch = 0 : i64, scratch_operands = 0 : i64, tpu.core_type = #tpu.core_type<tc>, window_params = [{transform_indices = @transform_0, window_bounds = array<i64: 1, 2000, 128>}, {transform_indices = @transform_1, window_bounds = array<i64: 1, 2000, 128>}, {transform_indices = @transform_2, window_bounds = array<i64: 2000, 128>}, {transform_indices = @transform_3, window_bounds = array<i64: 2000, 128>}, {pipeline_mode = #tpu.pipeline_mode<synchronous>, transform_indices = @transform_4, window_bounds = array<i64: 1, 128>}, {pipeline_mode = #tpu.pipeline_mode<synchronous>, transform_indices = @transform_5, window_bounds = array<i64: 128, 128>}, {transform_indices = @transform_6, window_bounds = array<i64: 2000, 128>}, {transform_indices = @transform_7, window_bounds = array<i64: 2000, 128>}]} {
    %get3A = arith.constant 0 : index
    %get3A_0 = arith.constant 0 : index
    %get3A_1 = vector.load %arg4[%get3A, %get3A_0] : memref<2000x128xf32, #tpu.memory_space<vmem>>, vector<2000x128xf32>
    %get3A_2 = arith.constant 0 : index
    %get3A_3 = arith.constant 0 : index
    %get3A_4 = arith.constant 0 : index
    %get3A_5 = vector.load %arg1[%get3A_2, %get3A_3, %get3A_4] : memref<1x2000x128xf32, #tpu.memory_space<vmem>>, vector<1x2000x128xf32>
    %get3A_6 = vector.shape_cast %get3A_5 : vector<1x2000x128xf32> to vector<2000x128xf32>
    %get3A_7 = arith.constant 0 : index
    %get3A_8 = arith.constant 0 : index
    %get3A_9 = arith.constant 0 : index
    %get3A_10 = vector.load %arg2[%get3A_7, %get3A_8, %get3A_9] : memref<1x2000x128xf32, #tpu.memory_space<vmem>>, vector<1x2000x128xf32>
    %get3A_11 = vector.shape_cast %get3A_10 : vector<1x2000x128xf32> to vector<2000x128xf32>
    %add3A = arith.addf %get3A_6, %get3A_11 : vector<2000x128xf32>
    %get3A_12 = arith.constant 0 : index
    %get3A_13 = arith.constant 0 : index
    %get3A_14 = vector.load %arg3[%get3A_12, %get3A_13] : memref<2000x128xf32, #tpu.memory_space<vmem>>, vector<2000x128xf32>
    %add3A_15 = arith.addf %add3A, %get3A_14 : vector<2000x128xf32>
    %mul3A = arith.mulf %add3A_15, %get3A_1 : vector<2000x128xf32>
    %get3A_16 = arith.constant 0 : index
    %get3A_17 = arith.constant 0 : index
    %get3A_18 = vector.load %arg5[%get3A_16, %get3A_17] : memref<1x128xf32, #tpu.memory_space<vmem>>, vector<1x128xf32>
    %add3A_19 = vector.broadcast %get3A_18 : vector<1x128xf32> to vector<2000x128xf32>
    %add3A_20 = arith.addf %mul3A, %add3A_19 : vector<2000x128xf32>
    %gt3A = arith.constant 0.000000e+00 : f32
    %gt3A_21 = vector.broadcast %gt3A : f32 to vector<2000x128xf32>
    %gt3A_22 = arith.cmpf ogt, %add3A_20, %gt3A_21 : vector<2000x128xf32>
    %mul3A_23 = arith.constant 2.000000e-01 : f32
    %mul3A_24 = vector.broadcast %mul3A_23 : f32 to vector<2000x128xf32>
    %mul3A_25 = arith.mulf %mul3A_24, %add3A_20 : vector<2000x128xf32>
    %select_n3A = arith.select %gt3A_22, %add3A_20, %mul3A_25 : vector<2000x128xi1>, vector<2000x128xf32>
    %swap3A = arith.constant 0 : index
    %swap3A_26 = arith.constant 0 : index
    %swap3A_27 = vector.load %arg7[%swap3A, %swap3A_26] : memref<2000x128xf32, #tpu.memory_space<vmem>>, vector<2000x128xf32>
    tpu.vector_store %arg7[%swap3A, %swap3A_26], %select_n3A {strides = array<i32>} : memref<2000x128xf32, #tpu.memory_space<vmem>>, vector<2000x128xf32>,
    %get3A_28 = arith.constant 0 : index
    %get3A_29 = arith.constant 0 : index
    %get3A_30 = vector.load %arg6[%get3A_28, %get3A_29] : memref<128x128xf32, #tpu.memory_space<vmem>>, vector<128x128xf32>
    %dot_general3A = arith.constant dense<0.000000e+00> : vector<2000x128xf32>
    %dot_general3A_31 = tpu.matmul %select_n3A, %get3A_30, %dot_general3A {dimension_numbers = #tpu.dot_dimension_numbers<[1], [0], [0], [1], [0, 0, 1, 1], [], []>, precision = #tpu.contract_precision<fp32>, transpose_lhs_hint = false} : vector<2000x128xf32>, vector<128x128xf32>, vector<2000x128xf32> -> vector<2000x128xf32>
    %mul3A_32 = arith.mulf %dot_general3A_31, %get3A_1 : vector<2000x128xf32>
    %swap3A_33 = arith.constant 0 : index
    %swap3A_34 = arith.constant 0 : index
    %swap3A_35 = vector.load %arg8[%swap3A_33, %swap3A_34] : memref<2000x128xf32, #tpu.memory_space<vmem>>, vector<2000x128xf32>
    tpu.vector_store %arg8[%swap3A_33, %swap3A_34], %mul3A_32 {strides = array<i32>} : memref<2000x128xf32, #tpu.memory_space<vmem>>, vector<2000x128xf32>,
    return
  }
  func.func @transform_0(%arg0: i32) -> (i32, i32, i32) {
    %c0_i32 = arith.constant 0 : i32
    %c0_i32_0 = arith.constant 0 : i32
    %c0_i32_1 = arith.constant 0 : i32
    return %c0_i32, %arg0, %c0_i32_0 : i32, i32, i32
  }
  func.func @transform_1(%arg0: i32) -> (i32, i32, i32) {
    %c1_i32 = arith.constant 1 : i32
    %c0_i32 = arith.constant 0 : i32
    %c0_i32_0 = arith.constant 0 : i32
    return %c1_i32, %arg0, %c0_i32 : i32, i32, i32
  }
  func.func @transform_2(%arg0: i32) -> (i32, i32) {
    %c0_i32 = arith.constant 0 : i32
    %c0_i32_0 = arith.constant 0 : i32
    return %arg0, %c0_i32 : i32, i32
  }
  func.func @transform_3(%arg0: i32) -> (i32, i32) {
    %c0_i32 = arith.constant 0 : i32
    %c0_i32_0 = arith.constant 0 : i32
    return %arg0, %c0_i32 : i32, i32
  }
  func.func @transform_4(%arg0: i32) -> (i32, i32) {
    %c0_i32 = arith.constant 0 : i32
    %c0_i32_0 = arith.constant 0 : i32
    %c0_i32_1 = arith.constant 0 : i32
    return %c0_i32, %c0_i32_0 : i32, i32
  }
  func.func @transform_5(%arg0: i32) -> (i32, i32) {
    %c0_i32 = arith.constant 0 : i32
    %c0_i32_0 = arith.constant 0 : i32
    %c0_i32_1 = arith.constant 0 : i32
    return %c0_i32, %c0_i32_0 : i32, i32
  }
  func.func @transform_6(%arg0: i32) -> (i32, i32) {
    %c0_i32 = arith.constant 0 : i32
    %c0_i32_0 = arith.constant 0 : i32
    return %arg0, %c0_i32 : i32, i32
  }
  func.func @transform_7(%arg0: i32) -> (i32, i32) {
    %c0_i32 = arith.constant 0 : i32
    %c0_i32_0 = arith.constant 0 : i32
    return %arg0, %c0_i32 : i32, i32
  }
}

module attributes {stable_mosaic.version = 14 : i64} {
  func.func @_final_body(%arg0: i32, %arg1: memref<1x2000x128xf32, #tpu.memory_space<vmem>>, %arg2: memref<1x2000x128xf32, #tpu.memory_space<vmem>>, %arg3: memref<2000x128xf32, #tpu.memory_space<vmem>>, %arg4: memref<2000x128xf32, #tpu.memory_space<vmem>>, %arg5: memref<1x64xf32, #tpu.memory_space<vmem>>, %arg6: memref<2000x128xf32, #tpu.memory_space<vmem>>, %arg7: memref<2000x128xf32, #tpu.memory_space<vmem>>, %arg8: memref<2000x128xf32, #tpu.memory_space<vmem>>, %arg9: memref<128x64xf32, #tpu.memory_space<vmem>>, %arg10: memref<1x64xf32, #tpu.memory_space<vmem>>, %arg11: memref<128x64xf32, #tpu.memory_space<vmem>>, %arg12: memref<1x64xf32, #tpu.memory_space<vmem>>, %arg13: memref<128x64xf32, #tpu.memory_space<vmem>>, %arg14: memref<1x64xf32, #tpu.memory_space<vmem>>, %arg15: memref<2000x64xf32, #tpu.memory_space<vmem>>) attributes {dimension_semantics = [#tpu.dimension_semantics<arbitrary>], iteration_bounds = array<i64: 5>, scalar_prefetch = 0 : i64, scratch_operands = 0 : i64, tpu.core_type = #tpu.core_type<tc>, window_params = [{transform_indices = @transform_0, window_bounds = array<i64: 1, 2000, 128>}, {transform_indices = @transform_1, window_bounds = array<i64: 1, 2000, 128>}, {transform_indices = @transform_2, window_bounds = array<i64: 2000, 128>}, {transform_indices = @transform_3, window_bounds = array<i64: 2000, 128>}, {pipeline_mode = #tpu.pipeline_mode<synchronous>, transform_indices = @transform_4, window_bounds = array<i64: 1, 64>}, {transform_indices = @transform_5, window_bounds = array<i64: 2000, 128>}, {transform_indices = @transform_6, window_bounds = array<i64: 2000, 128>}, {transform_indices = @transform_7, window_bounds = array<i64: 2000, 128>}, {pipeline_mode = #tpu.pipeline_mode<synchronous>, transform_indices = @transform_8, window_bounds = array<i64: 128, 64>}, {pipeline_mode = #tpu.pipeline_mode<synchronous>, transform_indices = @transform_9, window_bounds = array<i64: 1, 64>}, {pipeline_mode = #tpu.pipeline_mode<synchronous>, transform_indices = @transform_10, window_bounds = array<i64: 128, 64>}, {pipeline_mode = #tpu.pipeline_mode<synchronous>, transform_indices = @transform_11, window_bounds = array<i64: 1, 64>}, {pipeline_mode = #tpu.pipeline_mode<synchronous>, transform_indices = @transform_12, window_bounds = array<i64: 128, 64>}, {pipeline_mode = #tpu.pipeline_mode<synchronous>, transform_indices = @transform_13, window_bounds = array<i64: 1, 64>}, {transform_indices = @transform_14, window_bounds = array<i64: 2000, 64>}]} {
    %get3A = arith.constant 0 : index
    %get3A_0 = arith.constant 0 : index
    %get3A_1 = vector.load %arg4[%get3A, %get3A_0] : memref<2000x128xf32, #tpu.memory_space<vmem>>, vector<2000x128xf32>
    %slice3A = vector.extract_strided_slice %get3A_1 {offsets = [0, 0], sizes = [2000, 64], strides = [1, 1]} : vector<2000x128xf32> to vector<2000x64xf32>
    %get3A_2 = arith.constant 0 : index
    %get3A_3 = arith.constant 0 : index
    %get3A_4 = arith.constant 0 : index
    %get3A_5 = vector.load %arg1[%get3A_2, %get3A_3, %get3A_4] : memref<1x2000x128xf32, #tpu.memory_space<vmem>>, vector<1x2000x128xf32>
    %get3A_6 = vector.shape_cast %get3A_5 : vector<1x2000x128xf32> to vector<2000x128xf32>
    %slice3A_7 = vector.extract_strided_slice %get3A_6 {offsets = [0, 0], sizes = [2000, 64], strides = [1, 1]} : vector<2000x128xf32> to vector<2000x64xf32>
    %get3A_8 = arith.constant 0 : index
    %get3A_9 = arith.constant 0 : index
    %get3A_10 = arith.constant 0 : index
    %get3A_11 = vector.load %arg2[%get3A_8, %get3A_9, %get3A_10] : memref<1x2000x128xf32, #tpu.memory_space<vmem>>, vector<1x2000x128xf32>
    %get3A_12 = vector.shape_cast %get3A_11 : vector<1x2000x128xf32> to vector<2000x128xf32>
    %slice3A_13 = vector.extract_strided_slice %get3A_12 {offsets = [0, 0], sizes = [2000, 64], strides = [1, 1]} : vector<2000x128xf32> to vector<2000x64xf32>
    %add3A = arith.addf %slice3A_7, %slice3A_13 : vector<2000x64xf32>
    %get3A_14 = arith.constant 0 : index
    %get3A_15 = arith.constant 0 : index
    %get3A_16 = vector.load %arg3[%get3A_14, %get3A_15] : memref<2000x128xf32, #tpu.memory_space<vmem>>, vector<2000x64xf32>
    %add3A_17 = arith.addf %add3A, %get3A_16 : vector<2000x64xf32>
    %mul3A = arith.mulf %add3A_17, %slice3A : vector<2000x64xf32>
    %get3A_18 = arith.constant 0 : index
    %get3A_19 = arith.constant 0 : index
    %get3A_20 = vector.load %arg5[%get3A_18, %get3A_19] : memref<1x64xf32, #tpu.memory_space<vmem>>, vector<1x64xf32>
    %add3A_21 = vector.broadcast %get3A_20 : vector<1x64xf32> to vector<2000x64xf32>
    %add3A_22 = arith.addf %mul3A, %add3A_21 : vector<2000x64xf32>
    %get3A_23 = arith.constant 0 : index
    %get3A_24 = arith.constant 0 : index
    %get3A_25 = vector.load %arg6[%get3A_23, %get3A_24] : memref<2000x128xf32, #tpu.memory_space<vmem>>, vector<2000x128xf32>
    %get3A_26 = arith.constant 0 : index
    %get3A_27 = arith.constant 0 : index
    %get3A_28 = vector.load %arg9[%get3A_26, %get3A_27] : memref<128x64xf32, #tpu.memory_space<vmem>>, vector<128x64xf32>
    %dot_general3A = arith.constant dense<0.000000e+00> : vector<2000x64xf32>
    %dot_general3A_29 = tpu.matmul %get3A_25, %get3A_28, %dot_general3A {dimension_numbers = #tpu.dot_dimension_numbers<[1], [0], [0], [1], [0, 0, 1, 1], [], []>, precision = #tpu.contract_precision<fp32>, transpose_lhs_hint = false} : vector<2000x128xf32>, vector<128x64xf32>, vector<2000x64xf32> -> vector<2000x64xf32>
    %add3A_30 = arith.addf %add3A_22, %dot_general3A_29 : vector<2000x64xf32>
    %get3A_31 = arith.constant 0 : index
    %get3A_32 = arith.constant 0 : index
    %get3A_33 = vector.load %arg10[%get3A_31, %get3A_32] : memref<1x64xf32, #tpu.memory_space<vmem>>, vector<1x64xf32>
    %add3A_34 = vector.broadcast %get3A_33 : vector<1x64xf32> to vector<2000x64xf32>
    %add3A_35 = arith.addf %add3A_30, %add3A_34 : vector<2000x64xf32>
    %get3A_36 = arith.constant 0 : index
    %get3A_37 = arith.constant 0 : index
    %get3A_38 = vector.load %arg7[%get3A_36, %get3A_37] : memref<2000x128xf32, #tpu.memory_space<vmem>>, vector<2000x128xf32>
    %get3A_39 = arith.constant 0 : index
    %get3A_40 = arith.constant 0 : index
    %get3A_41 = vector.load %arg11[%get3A_39, %get3A_40] : memref<128x64xf32, #tpu.memory_space<vmem>>, vector<128x64xf32>
    %dot_general3A_42 = arith.constant dense<0.000000e+00> : vector<2000x64xf32>
    %dot_general3A_43 = tpu.matmul %get3A_38, %get3A_41, %dot_general3A_42 {dimension_numbers = #tpu.dot_dimension_numbers<[1], [0], [0], [1], [0, 0, 1, 1], [], []>, precision = #tpu.contract_precision<fp32>, transpose_lhs_hint = false} : vector<2000x128xf32>, vector<128x64xf32>, vector<2000x64xf32> -> vector<2000x64xf32>
    %add3A_44 = arith.addf %add3A_35, %dot_general3A_43 : vector<2000x64xf32>
    %get3A_45 = arith.constant 0 : index
    %get3A_46 = arith.constant 0 : index
    %get3A_47 = vector.load %arg12[%get3A_45, %get3A_46] : memref<1x64xf32, #tpu.memory_space<vmem>>, vector<1x64xf32>
    %add3A_48 = vector.broadcast %get3A_47 : vector<1x64xf32> to vector<2000x64xf32>
    %add3A_49 = arith.addf %add3A_44, %add3A_48 : vector<2000x64xf32>
    %get3A_50 = arith.constant 0 : index
    %get3A_51 = arith.constant 0 : index
    %get3A_52 = vector.load %arg8[%get3A_50, %get3A_51] : memref<2000x128xf32, #tpu.memory_space<vmem>>, vector<2000x128xf32>
    %get3A_53 = arith.constant 0 : index
    %get3A_54 = arith.constant 0 : index
    %get3A_55 = vector.load %arg13[%get3A_53, %get3A_54] : memref<128x64xf32, #tpu.memory_space<vmem>>, vector<128x64xf32>
    %dot_general3A_56 = arith.constant dense<0.000000e+00> : vector<2000x64xf32>
    %dot_general3A_57 = tpu.matmul %get3A_52, %get3A_55, %dot_general3A_56 {dimension_numbers = #tpu.dot_dimension_numbers<[1], [0], [0], [1], [0, 0, 1, 1], [], []>, precision = #tpu.contract_precision<fp32>, transpose_lhs_hint = false} : vector<2000x128xf32>, vector<128x64xf32>, vector<2000x64xf32> -> vector<2000x64xf32>
    %add3A_58 = arith.addf %add3A_49, %dot_general3A_57 : vector<2000x64xf32>
    %get3A_59 = arith.constant 0 : index
    %get3A_60 = arith.constant 0 : index
    %get3A_61 = vector.load %arg14[%get3A_59, %get3A_60] : memref<1x64xf32, #tpu.memory_space<vmem>>, vector<1x64xf32>
    %add3A_62 = vector.broadcast %get3A_61 : vector<1x64xf32> to vector<2000x64xf32>
    %add3A_63 = arith.addf %add3A_58, %add3A_62 : vector<2000x64xf32>
    %swap3A = arith.constant 0 : index
    %swap3A_64 = arith.constant 0 : index
    %swap3A_65 = vector.load %arg15[%swap3A, %swap3A_64] : memref<2000x64xf32, #tpu.memory_space<vmem>>, vector<2000x64xf32>
    tpu.vector_store %arg15[%swap3A, %swap3A_64], %add3A_63 {strides = array<i32>} : memref<2000x64xf32, #tpu.memory_space<vmem>>, vector<2000x64xf32>,
    return
  }
  func.func @transform_0(%arg0: i32) -> (i32, i32, i32) {
    %c0_i32 = arith.constant 0 : i32
    %c0_i32_0 = arith.constant 0 : i32
    %c0_i32_1 = arith.constant 0 : i32
    return %c0_i32, %arg0, %c0_i32_0 : i32, i32, i32
  }
  func.func @transform_1(%arg0: i32) -> (i32, i32, i32) {
    %c1_i32 = arith.constant 1 : i32
    %c0_i32 = arith.constant 0 : i32
    %c0_i32_0 = arith.constant 0 : i32
    return %c1_i32, %arg0, %c0_i32 : i32, i32, i32
  }
  func.func @transform_2(%arg0: i32) -> (i32, i32) {
    %c0_i32 = arith.constant 0 : i32
    %c0_i32_0 = arith.constant 0 : i32
    return %arg0, %c0_i32 : i32, i32
  }
  func.func @transform_3(%arg0: i32) -> (i32, i32) {
    %c0_i32 = arith.constant 0 : i32
    %c0_i32_0 = arith.constant 0 : i32
    return %arg0, %c0_i32 : i32, i32
  }
  func.func @transform_4(%arg0: i32) -> (i32, i32) {
    %c0_i32 = arith.constant 0 : i32
    %c0_i32_0 = arith.constant 0 : i32
    %c0_i32_1 = arith.constant 0 : i32
    return %c0_i32, %c0_i32_0 : i32, i32
  }
  func.func @transform_5(%arg0: i32) -> (i32, i32) {
    %c0_i32 = arith.constant 0 : i32
    %c0_i32_0 = arith.constant 0 : i32
    return %arg0, %c0_i32 : i32, i32
  }
  func.func @transform_6(%arg0: i32) -> (i32, i32) {
    %c0_i32 = arith.constant 0 : i32
    %c0_i32_0 = arith.constant 0 : i32
    return %arg0, %c0_i32 : i32, i32
  }
  func.func @transform_7(%arg0: i32) -> (i32, i32) {
    %c0_i32 = arith.constant 0 : i32
    %c0_i32_0 = arith.constant 0 : i32
    return %arg0, %c0_i32 : i32, i32
  }
  func.func @transform_8(%arg0: i32) -> (i32, i32) {
    %c0_i32 = arith.constant 0 : i32
    %c0_i32_0 = arith.constant 0 : i32
    %c0_i32_1 = arith.constant 0 : i32
    return %c0_i32, %c0_i32_0 : i32, i32
  }
  func.func @transform_9(%arg0: i32) -> (i32, i32) {
    %c0_i32 = arith.constant 0 : i32
    %c0_i32_0 = arith.constant 0 : i32
    %c0_i32_1 = arith.constant 0 : i32
    return %c0_i32, %c0_i32_0 : i32, i32
  }
  func.func @transform_10(%arg0: i32) -> (i32, i32) {
    %c0_i32 = arith.constant 0 : i32
    %c0_i32_0 = arith.constant 0 : i32
    %c0_i32_1 = arith.constant 0 : i32
    return %c0_i32, %c0_i32_0 : i32, i32
  }
  func.func @transform_11(%arg0: i32) -> (i32, i32) {
    %c0_i32 = arith.constant 0 : i32
    %c0_i32_0 = arith.constant 0 : i32
    %c0_i32_1 = arith.constant 0 : i32
    return %c0_i32, %c0_i32_0 : i32, i32
  }
  func.func @transform_12(%arg0: i32) -> (i32, i32) {
    %c0_i32 = arith.constant 0 : i32
    %c0_i32_0 = arith.constant 0 : i32
    %c0_i32_1 = arith.constant 0 : i32
    return %c0_i32, %c0_i32_0 : i32, i32
  }
  func.func @transform_13(%arg0: i32) -> (i32, i32) {
    %c0_i32 = arith.constant 0 : i32
    %c0_i32_0 = arith.constant 0 : i32
    %c0_i32_1 = arith.constant 0 : i32
    return %c0_i32, %c0_i32_0 : i32, i32
  }
  func.func @transform_14(%arg0: i32) -> (i32, i32) {
    %c0_i32 = arith.constant 0 : i32
    %c0_i32_0 = arith.constant 0 : i32
    return %arg0, %c0_i32 : i32, i32
  }
}

</mosaic_0001>

<sc_bundles>
// kernel: kernel.12.cloned.1.call-start
scs
__scs_entry_jumppad:
0x0: {  	(pc) =	sbr.rel $0x88, $3  }
0x1: {  	(tag) =	ssettag $0x0;
	lr =	simm.s32 $0x1  }
0x2: {  	[smem:$0x3F8F] =	sst lr;
	_ =	strace $0xD0000000  }
0x3: {  	_ = 	snop  }
0x4: {  	_ = 	snop  }
0x5: {  	_ = 	snop  }
0x6: {  	_ = 	snop  }
0x7: {  	_ = 	snop  }
__scs_overlays_trampoline_lowered:
0x8: {  	[smem:$0x3F9E] =	sst s0  }
0x9: {  	[smem:$0x3F9F] =	sst s1  }
0xa: {  	[smem:$0x3FA0] =	sst s2  }
0xb: {  	[smem:$0x3FA1] =	sst s3  }
0xc: {  	[smem:$0x3FA2] =	sst s4  }
0xd: {  	[smem:$0x3FA3] =	sst s5  }
0xe: {  	[smem:$0x3FA4] =	sst s6  }
0xf: {  	[smem:$0x3FA5] =	sst s7  }
0x10: {  	[smem:$0x3FA6] =	sst s8  }
0x11: {  	[smem:$0x3FA7] =	sst s9;
	s0 =	simm.s32 @!p0 $0x0  }
0x12: {  	s1 =	sld [smem:$0x3F8D];
	s0 =	simm.s32 @p0 $0x1  }
0x13: {  	[smem:$0x3FA8] =	sst s0;
	s0 =	simm.s32 @!p1 $0x0  }
0x14: {  	s2 =	sld [smem:$0x3F8C];
	s0 =	simm.s32 @p1 $0x1  }
0x15: {  	[smem:$0x3FA9] =	sst s0;
	s0 =	simm.s32 @!p2 $0x0  }
0x16: {  	s3 =	sld [smem:$0x3FDB];
	s0 =	simm.s32 @p2 $0x1  }
0x17: {  	s4 =	simm.s32 $0x1BF5;
	[smem:$0x3FAB] =	sst s0  }
0x18: {  	s0 =	sld [smem:$0x3F8E];
	_ =	swait.ge [sflag:s4], $0x0  }
0x19: {  	s7 =	sld [smem:$0x3F8F]  }
0x1a: {  	s8 =	sadd.s32 $0xFFFFE003, lr  }
0x1b: {  	s9 =	sadd.s32 $0xFFFFFEF7, lr;
	s5 =	simm.s32 $0xFFFFFFFF;
	p2 =	slt.u32 s8, $0xFFFFF086  }
0x1c: {  	p1 =	slt.u32 s9, $0xF7A;
	s5 =	simm.s32 @!p2 $0x0  }
0x1d: {  	s5 =	simm.s32 @p1 $0x1;
	p0 =	seq.s32 s7, s2  }
0x1e: {  	s7 =	smul.u32 @!p0 $0xF7A, s2;
	p2 =	seq.s32 @!p0 s5, $0x0  }
0x1f: {  	s9 =	smul.u32 $0xF7A, s1;
	s8 =	simm.s32 @!p0 $0x1BF5;
	p2 =	por !p2, p0  }
0x20: {  	[sflag:s8] =	ssyncset.s32 @!p0 $0xFFFFF086;
	s6 =	sadd.s32 @!p0 s3, s7;
	s7 =	simm.s32 @!p0 $0x108  }
0x21: {  	s3 =	sadd.s32 s3, s9;
	s6 =	sadd.s32 @!p0 $0x88, s6;
	s7 =	simm.s32 @p2 $0x1082  }
0x22: {  	[simem:s7], [sflag:s8] =	dma.local @!p0 [hbm:s6], $0xF7A  }
0x23: {  	s9 =	sor.u32 $0xD0000000, s2;
	s6 =	simm.s32 $0x108;
	_ =	swait.ge @!p0 [sflag:s8], $0x0  }
0x24: {  	s3 =	sadd.s32 $0x88, s3;
	s6 =	simm.s32 @!p1 $0x1082;
	[sflag:s4] =	ssyncset.s32 $0xFFFFF086  }
0x25: {  	[simem:s6], [sflag:s4] =	dma.local [hbm:s3], $0xF7A  }
0x26: {  	[smem:$0x3F8F] =	sst s1;
	(tag) =	ssettag s2;
	_ =	strace s9  }
0x27: {  	s1 =	sld [smem:$0x3F9F]  }
0x28: {  	s2 =	sld [smem:$0x3FA0]  }
0x29: {  	s4 =	sld [smem:$0x3FA2]  }
0x2a: {  	p0 =	seq.s32 s5, $0x0;
	s5 =	sld [smem:$0x3FA3]  }
0x2b: {  	s6 =	sld [smem:$0x3FA4]  }
0x2c: {  	s7 =	sld [smem:$0x3FA5]  }
0x2d: {  	s3 =	simm.s32 $0x108;
	s8 =	sld [smem:$0x3FA6]  }
0x2e: {  	s3 =	simm.s32 @!p0 $0x1082;
	s9 =	sld [smem:$0x3FA7]  }
0x2f: {  	lr =	sadd.s32 s0, s3;
	s0 =	sld [smem:$0x3F9E]  }
0x30: {  	s3 =	sld [smem:$0x3FA1]  }
0x31: {  	[smem:$0x3FAA] =	sst s10  }
0x32: {  	s10 =	sld [smem:$0x3FA8];
	_ =	sdelay $0x3  }
0x33: {  	p0 =	seq.s32 s10, $0x1;
	s10 =	sld [smem:$0x3FAA];
	_ =	sdelay $0x3  }
0x34: {  	[smem:$0x3FAA] =	sst s10  }
0x35: {  	s10 =	sld [smem:$0x3FA9];
	_ =	sdelay $0x3  }
0x36: {  	p1 =	seq.s32 s10, $0x1;
	s10 =	sld [smem:$0x3FAA];
	_ =	sdelay $0x3  }
0x37: {  	[smem:$0x3FAA] =	sst s10  }
0x38: {  	s10 =	sld [smem:$0x3FAB]  }
0x39: {  	_ = 	snop;
	(pc) =	sbr.ind lr, $3  }
0x3a: {  	_ = 	snop  }
0x3b: {  	_ = 	snop  }
0x3c: {  	p2 =	seq.s32 s10, $0x1;
	s10 =	sld [smem:$0x3FAA]  }
0x3d: {  	_ =	shalt  }
0x3e: {  	_ =	shalt  }
0x3f: {  	_ =	shalt  }
0x40: {  	_ =	shalt  }
0x41: {  	_ =	shalt  }
0x42: {  	_ =	shalt  }
0x43: {  	_ =	shalt  }
0x44: {  	_ =	shalt  }
0x45: {  	_ =	shalt  }
0x46: {  	_ =	shalt  }
0x47: {  	_ =	shalt  }
0x48: {  	_ =	shalt  }
0x49: {  	_ =	shalt  }
0x4a: {  	_ =	shalt  }
0x4b: {  	_ =	shalt  }
0x4c: {  	_ =	shalt  }
0x4d: {  	_ =	shalt  }
0x4e: {  	_ =	shalt  }
0x4f: {  	_ =	shalt  }
0x50: {  	_ =	shalt  }
0x51: {  	_ =	shalt  }
0x52: {  	_ =	shalt  }
0x53: {  	_ =	shalt  }
0x54: {  	_ =	shalt  }
0x55: {  	_ =	shalt  }
0x56: {  	_ =	shalt  }
0x57: {  	_ =	shalt  }
0x58: {  	_ =	shalt  }
0x59: {  	_ =	shalt  }
0x5a: {  	_ =	shalt  }
0x5b: {  	_ =	shalt  }
0x5c: {  	_ =	shalt  }
0x5d: {  	_ =	shalt  }
0x5e: {  	_ =	shalt  }
0x5f: {  	_ =	shalt  }
0x60: {  	_ =	shalt  }
0x61: {  	_ =	shalt  }
0x62: {  	_ =	shalt  }
0x63: {  	_ =	shalt  }
0x64: {  	_ =	shalt  }
0x65: {  	_ =	shalt  }
0x66: {  	_ =	shalt  }
0x67: {  	_ =	shalt  }
0x68: {  	_ =	shalt  }
0x69: {  	_ =	shalt  }
0x6a: {  	_ =	shalt  }
0x6b: {  	_ =	shalt  }
0x6c: {  	_ =	shalt  }
0x6d: {  	_ =	shalt  }
0x6e: {  	_ =	shalt  }
0x6f: {  	_ =	shalt  }
0x70: {  	_ =	shalt  }
0x71: {  	_ =	shalt  }
0x72: {  	_ =	shalt  }
0x73: {  	_ =	shalt  }
0x74: {  	_ =	shalt  }
0x75: {  	_ =	shalt  }
0x76: {  	_ =	shalt  }
0x77: {  	_ =	shalt  }
0x78: {  	_ =	shalt  }
0x79: {  	_ =	shalt  }
0x7a: {  	_ =	shalt  }
0x7b: {  	_ =	shalt  }
0x7c: {  	_ =	shalt  }
0x7d: {  	_ =	shalt  }
0x7e: {  	_ =	shalt  }
0x7f: {  	_ =	shalt  }
0x80: {  	_ =	shalt  }
0x81: {  	_ =	shalt  }
0x82: {  	_ =	shalt  }
0x83: {  	_ =	shalt  }
0x84: {  	_ =	shalt  }
0x85: {  	_ =	shalt  }
0x86: {  	_ =	shalt  }
0x87: {  	_ =	shalt  }
.Lfunc_end0:
.L_simem_size_0:
called_computation_lowered:
.L_overlay_start_0:
0x88: {  	s2 =	sld [smem:$0x3FD9]  }
0x89: {  	s3 =	sld [smem:$0x3FFE];
	_ =	sdelay $0x1  }
0x8a: {  	s1 =	srdreg.scid  }
0x8b: {  	s0 =	sand.u32 $0x1, s1  }
0x8c: {  	s17 =	sshll.u32 s0, $0xA;
	s2 =	sadd.s32 s3, s2  }
0x8d: {  	s2 =	sadd.s32 s2, s17  }
0x8e: {  	[smem:$0x3FB6] =	sst s2  }
0x8f: {  	_ = 	snop  }
0x90: {  	s2 =	sld [smem:$0x3FD0];
	(tm) =	ssettm $0x1  }
0x91: {  	s18 =	sld [smem:$0x3FFB];
	_ =	sdelay $0x3  }
0x92: {  	_ =	strace s18  }
0x93: {  	s3 =	sld [smem:$0x3FFC];
	_ =	sdelay $0x3  }
0x94: {  	_ =	strace s3  }
0x95: {  	s3 =	sld [smem:$0x3FFD];
	_ =	sdelay $0x3  }
0x96: {  	_ =	strace s3  }
0x97: {  	_ =	strace $0x8FFFFFFF  }
0x98: {  	s19 =	sld [smem:$0x3FDB];
	_ =	sdelay $0x1  }
0x99: {  	s4 =	simm.s32 $_scs_section_size  }
0x9a: {  	s5 =	simm.s32 $_size__tile_overlayer_lowered;
	s6 =	simm.s32 $_tile_overlayer_lowered  }
0x9b: {  	s22 =	simm.s32 $0x1BFF;
	s21 =	sshll.u32 s6, $0x1;
	s3 =	sadd.s32 s4, s19  }
0x9c: {  	s7 =	simm.s32 $0x0;
	s20 =	sshll.u32 s5, $0x1;
	s5 =	sadd.s32 s21, s3  }
0x9d: {  	[timem:s7], [sflag:s22] =	dma.local [hbm:s5], s20  }
0x9e: {  	_ =	swait.ge [sflag:s22], s20  }
0x9f: {  	s4 =	ssub.s32 $0x0, s20;
	[sflag:s22] =	ssyncset.done $0x0  }
0xa0: {  	[sflag:s22] =	ssyncadd.s32 s4;
	_ =	sdelay $0x1  }
0xa1: {  	s23 =	simm.s32 $0x1B8B  }
0xa2: {  	_ =	swait.ge [sflag:s23], $0x1  }
0xa3: {  	[sflag:s23] =	ssyncset.done $0x0  }
0xa4: {  	s25 =	simm.s32 $0x1B8E;
	s24 =	sld [smem:$0x3FFE];
	[sflag:s23] =	ssyncadd.s32 $0xFFFFFFFF  }
0xa5: {  	s26 =	simm.s32 $execute0_lowered;
	[smem:$0x3FD2] =	sst s25  }
0xa6: {  	s5 =	sshll.u32 s26, $0x1;
	_ =	strace $0x80000046;
	[dreg:$0x1] =	wrdreg $0xFFFFFFFF  }
0xa7: {  	s28 =	simm.s32 $_size_execute0_lowered;
	s3 =	sadd.s32 s3, s5;
	[dreg:$0x0] =	wrdreg $0x0  }
0xa8: {  	s5 =	sshll.u32 s28, $0x1;
	[dreg:$0x2] =	wrdreg s3  }
0xa9: {  	[dreg:$0x3] =	wrdreg s5  }
0xaa: {  	[dreg:$0x4] =	wrdreg $0xC0  }
0xab: {  	_ =	task [dreg:s7], $0x5FFFF  }
0xac: {  	[dreg:$0x1] =	wrdreg $0xFFFFFFFF  }
0xad: {  	[dreg:$0x0] =	wrdreg $0x60  }
0xae: {  	[dreg:$0x2] =	wrdreg s2  }
0xaf: {  	[dreg:$0x3] =	wrdreg s24  }
0xb0: {  	[dreg:$0x4] =	wrdreg $0x40800  }
0xb1: {  	[dreg:$0x5] =	wrdreg $0x9  }
0xb2: {  	_ =	task.clear_ibuf [dreg:s7], $0x6FFFF;
	_ =	strace $0x90000046  }
0xb3: {  	s29 =	simm.s32 $0x9;
	_ =	strace $0x80000048  }
0xb4: {  	_ =	swait.ge [sflag:s29], $0x1  }
0xb5: {  	[sflag:s29] =	ssyncadd.s32 $0xFFFFFFFF  }
0xb6: {  	_ =	strace $0x90000048  }
0xb7: {  	_ =	sfence  }
0xb8: {  	s30 =	sld [smem:$0x0];
	_ =	sdelay $0x2  }
0xb9: {  	s31 =	sshll.u32 s1, $0xD;
	s1 =	sshrl.u32 s1, $0x2  }
0xba: {  	s3 =	sand.u32 $0x4000, s31;
	s1 =	sadd.s32 s1, s30  }
0xbb: {  	s0 =	sor.u32 s3, s0;
	s1 =	sshll.u32 s1, $0x11  }
0xbc: {  	s0 =	sor.u32 s1, s0  }
0xbd: {  	s0 =	sadd.s32 $0x8F2B, s0  }
0xbe: {  	[sflag:s0] =	ssyncadd.remote.s32 $0x1  }
0xbf: {  	_ =	sfence.sel $0xFFFF  }
0xc0: {  	[dreg:$0x0] =	wrdreg $0xFFFFFFFF;
	(pc) =	sbr.abs _section_cstart, $3  }
0xc1: {  	[dreg:$0x1] =	wrdreg $0xFFFFFFFF  }
0xc2: {  	_ =	task.clear_ibuf [dreg:s7], $0x2FFFF;
	_ =	strace $0x9FFFFFFF  }
0xc3: {  	(tm) =	ssettm $0x7FFFFFFF  }
tec
execute0_lowered:
.L_overlay_start_1:
0x0: {  	(tag) =	ssettag $0x1  }
0x1: {  	s6 =	rddreg [dreg:$0x0]  }
0x2: {  	s7 =	rddreg [dreg:$0x1];
	s0 =	srdreg.scid  }
0x3: {  	s2 =	rddreg [dreg:$0x2];
	s1 =	stileid.u32;
	s3 =	simm.s32 $0x0  }
0x4: {  	s8 =	sand.u32 $0x1, s0;
	s0 =	rddreg [dreg:$0x3];
	s9 =	smul.u32 $0x13C00, s1  }
0x5: {  	[smem:$0x7FF] =	sst s3;
	s10 =	smul.u32 $0x4F000, s1  }
0x6: {  	s4 =	sadd.s32 $0x7800, s7;
	s12 =	smul.u32 $0x4F0, s1;
	s31 =	sshll.u32 s1, $0x6  }
0x7: {  	s5 =	smul.u32 $0x13C000, s8;
	_ =	strace $0x80000047;
	s30 =	ssub.s32 $0x2, s8  }
0x8: {  	s8 =	smul.u32 $0x4F00, s8;
	s11 =	sshrl.u32 s30, $0x1;
	s10 =	sshrl.u32 s10, $0x2  }
0x9: {  	s9 =	sadd.s32 s9, s5;
	s5 =	sadd.s32 $0x5000, s7;
	s13 =	sadd.s32 s10, s2  }
0xa: {  	s8 =	sadd.s32 s8, s6;
	s10 =	simm.s32 $0x1;
	s9 =	sshrl.u32 s9, $0x3  }
0xb: {  	s8 =	sadd.s32 s12, s8;
	s12 =	sshrl.u32 s13, $0x3;
	s13 =	simm.s32 $0x0  }
0xc: {  	s7 =	sadd.s32 s9, s7;
	s9 =	ssub.s32 s30, s11;
	s11 =	sor.u32 $0x1C01, s31  }
0xd: {  	s6 =	sadd.s32 $0x8000, s7;
	s7 =	smax.u32 s9, $0x1;
	s9 =	simm.s32 $0x80  }
.LBB2_1:
0xe: {  	[tilespmem:s9], [sflag:$0x1] =	stream.linear.gather [hbm4b:s4+s3], $0x4000, $0x38;
	[tilespmem:$0x17C80] =	vst v63  }
0xf: {  	_ =	swait.ge [sflag:s10], $0x4000  }
0x10: {  	[sflag:s10] =	ssyncset.done $0x0  }
0x11: {  	[sflag:s10] =	ssyncadd.s32 $0xFFFFC000  }
0x12: {  	[spmem:s12], [sflag:s11] =	dma.local [hbm:s5], $0x2780  }
0x13: {  	_ =	swait.ge [sflag:s10], $0x2780  }
0x14: {  	[sflag:s10] =	ssyncset.done $0x0  }
0x15: {  	[sflag:s10] =	ssyncadd.s32 $0xFFFFD880  }
0x16: {  	s14 =	sadd.s32 $0x0, s8;
	[bflag:$0x0] =	sbarrier.arrive $0xFFFF  }
0x17: {  	[tilespmem:s3], [sflag:$0x1] =	stream.linear.gather [hbm4b:s14+s3], $0x80, $0x38;
	[tilespmem:$0x17C80] =	vst v63  }
0x18: {  	_ =	swait.ge [sflag:s10], $0x80  }
0x19: {  	[sflag:s10] =	ssyncset.done $0x0  }
0x1a: {  	[sflag:s10] =	ssyncadd.s32 $0xFFFFFF80  }
0x1b: {  	[spmem:s2] =	stream.indirect.scatter.add.f32 [tilespmem:s9], [sflag:$0x1], $0x80, s3, s9, $0xb8;
	[tilespmem:$0x17C80] =	vst v63  }
0x1c: {  	_ =	swait.ge [sflag:s10], $0x4000  }
0x1d: {  	s15 =	simm.s32 $0x20;
	s14 =	simm.s32 $0x10;
	[sflag:s10] =	ssyncset.done $0x0  }
.LBB2_2:
0x1e: {  	s16 =	sadd.s32 s14, s8  }
0x1f: {  	[sflag:s10] =	ssyncadd.s32 $0xFFFFC000;
	s14 =	smov.u32 s15;
	s17 =	sadd.s32 $0x10, s15  }
0x20: {  	[tilespmem:s3], [sflag:$0x1] =	stream.linear.gather [hbm4b:s16+s3], $0x80, $0x38;
	[tilespmem:$0x17C80] =	vst v63  }
0x21: {  	p0 =	sne.s32 s15, $0x4E0;
	_ =	swait.ge [sflag:s10], $0x80  }
.Ltmp0:
0x22: {  	[sflag:s10] =	ssyncset.done $0x0;
	(pc) =	sbr.rel @p0 .LBB2_2-.Ltmp0, $4  }
0x23: {  	[sflag:s10] =	ssyncadd.s32 $0xFFFFFF80  }
0x24: {  	[spmem:s2] =	stream.indirect.scatter.add.f32 [tilespmem:s9], [sflag:$0x1], $0x80, s3, s9, $0xb8;
	[tilespmem:$0x17C80] =	vst v63  }
0x25: {  	_ =	swait.ge [sflag:s10], $0x4000  }
0x26: {  	s15 =	smov.u32 s17;
	[sflag:s10] =	ssyncset.done $0x0  }
0x27: {  	s14 =	sadd.s32 s14, s8;
	[sflag:s10] =	ssyncadd.s32 $0xFFFFC000  }
0x28: {  	[tilespmem:s3], [sflag:$0x1] =	stream.linear.gather [hbm4b:s14+s3], $0x80, $0x38;
	[tilespmem:$0x17C80] =	vst v63  }
0x29: {  	_ =	swait.ge [sflag:s10], $0x80  }
0x2a: {  	[sflag:s10] =	ssyncset.done $0x0  }
0x2b: {  	[sflag:s10] =	ssyncadd.s32 $0xFFFFFF80  }
0x2c: {  	[spmem:s2] =	stream.indirect.scatter.add.f32 [tilespmem:s9], [sflag:$0x1], $0x80, s3, s9, $0xb8;
	[tilespmem:$0x17C80] =	vst v63  }
0x2d: {  	_ =	swait.ge [sflag:s10], $0x4000  }
0x2e: {  	s13 =	sadd.s32 $0x1, s13;
	[sflag:s10] =	ssyncset.done $0x0  }
0x2f: {  	p0 =	sne.s32 s13, s7;
	[sflag:s10] =	ssyncadd.s32 $0xFFFFC000  }
.Ltmp1:
0x30: {  	[bflag:$0x0] =	sbarrier.arrive $0xFFFF;
	(pc) =	sbr.rel @p0 .LBB2_1-.Ltmp1, $4  }
0x31: {  	[hbm:s6], [sflag:s11] =	dma.local [spmem:s12], $0x2780  }
0x32: {  	_ =	swait.ge [sflag:s10], $0x2780  }
0x33: {  	[sflag:s10] =	ssyncset.done $0x0  }
0x34: {  	[sflag:s10] =	ssyncadd.s32 $0xFFFFD880  }
0x35: {  	_ =	sfence.sel $0x180000  }
0x36: {  	[bflag:$0x0] =	sbarrier.arrive $0xFFFF  }
0x37: {  	p0 =	sne.s32 s1, $0x0;
	_ =	strace $0x90000047  }
0x38: {  	s0 =	sadd.s32 @!p0 $0x100000, s0;
	[bflag:$0x2] =	sbarrier.arrive $0xFFFF  }
0x39: {  	[sflag:s0] =	ssyncadd.tile.s32 @!p0 $0x1;
	_ =	shalt  }
.Lfunc_end2:
_tile_overlayer_lowered:
.L_overlay_start_2:
0x3a: {  	(tag) =	ssettag $0x2  }
0x3b: {  	s0 =	rddreg [dreg:$0x0];
	s2 =	stileid.u32  }
0x3c: {  	s1 =	rddreg [dreg:$0x1];
	p0 =	sne.s32 s2, $0x0  }
0x3d: {  	s3 =	rddreg [dreg:$0x2];
	[bflag:$0x3] =	sbarrier.arrive $0xFFFF;
	s2 =	simm.s32 @!p0 $0x1C01  }
0x3e: {  	[timem:s3], [sflag:s2] =	dma.local @!p0 [hbm:s0], s1  }
0x3f: {  	s0 =	simm.s32 @!p0 $0x1  }
0x40: {  	_ =	swait.ge @!p0 [sflag:s0], s1  }
0x41: {  	s1 =	ssub.s32 @!p0 $0x0, s1;
	[sflag:s0] =	ssyncset.done @!p0 $0x0  }
0x42: {  	[sflag:s0] =	ssyncadd.s32 @!p0 s1  }
0x43: {  	[bflag:$0x3] =	sbarrier.arrive $0xFFFF  }
0x44: {  	_ =	shalt  }

// kernel: kernel.15.cloned.1.call-start
scs
__scs_entry_jumppad:
0x0: {  	(pc) =	sbr.rel $0x88, $3  }
0x1: {  	(tag) =	ssettag $0x0;
	lr =	simm.s32 $0x1  }
0x2: {  	[smem:$0x3F8F] =	sst lr;
	_ =	strace $0xD0000000  }
0x3: {  	_ = 	snop  }
0x4: {  	_ = 	snop  }
0x5: {  	_ = 	snop  }
0x6: {  	_ = 	snop  }
0x7: {  	_ = 	snop  }
__scs_overlays_trampoline_lowered:
0x8: {  	[smem:$0x3F9E] =	sst s0  }
0x9: {  	[smem:$0x3F9F] =	sst s1  }
0xa: {  	[smem:$0x3FA0] =	sst s2  }
0xb: {  	[smem:$0x3FA1] =	sst s3  }
0xc: {  	[smem:$0x3FA2] =	sst s4  }
0xd: {  	[smem:$0x3FA3] =	sst s5  }
0xe: {  	[smem:$0x3FA4] =	sst s6  }
0xf: {  	[smem:$0x3FA5] =	sst s7  }
0x10: {  	[smem:$0x3FA6] =	sst s8  }
0x11: {  	[smem:$0x3FA7] =	sst s9;
	s0 =	simm.s32 @!p0 $0x0  }
0x12: {  	s1 =	sld [smem:$0x3F8D];
	s0 =	simm.s32 @p0 $0x1  }
0x13: {  	[smem:$0x3FA8] =	sst s0;
	s0 =	simm.s32 @!p1 $0x0  }
0x14: {  	s2 =	sld [smem:$0x3F8C];
	s0 =	simm.s32 @p1 $0x1  }
0x15: {  	[smem:$0x3FA9] =	sst s0;
	s0 =	simm.s32 @!p2 $0x0  }
0x16: {  	s3 =	sld [smem:$0x3FDB];
	s0 =	simm.s32 @p2 $0x1  }
0x17: {  	s4 =	simm.s32 $0x1BF5;
	[smem:$0x3FAB] =	sst s0  }
0x18: {  	s0 =	sld [smem:$0x3F8E];
	_ =	swait.ge [sflag:s4], $0x0  }
0x19: {  	s7 =	sld [smem:$0x3F8F]  }
0x1a: {  	s8 =	sadd.s32 $0xFFFFE003, lr  }
0x1b: {  	s9 =	sadd.s32 $0xFFFFFEF7, lr;
	s5 =	simm.s32 $0xFFFFFFFF;
	p2 =	slt.u32 s8, $0xFFFFF086  }
0x1c: {  	p1 =	slt.u32 s9, $0xF7A;
	s5 =	simm.s32 @!p2 $0x0  }
0x1d: {  	s5 =	simm.s32 @p1 $0x1;
	p0 =	seq.s32 s7, s2  }
0x1e: {  	s7 =	smul.u32 @!p0 $0xF7A, s2;
	p2 =	seq.s32 @!p0 s5, $0x0  }
0x1f: {  	s9 =	smul.u32 $0xF7A, s1;
	s8 =	simm.s32 @!p0 $0x1BF5;
	p2 =	por !p2, p0  }
0x20: {  	[sflag:s8] =	ssyncset.s32 @!p0 $0xFFFFF086;
	s6 =	sadd.s32 @!p0 s3, s7;
	s7 =	simm.s32 @!p0 $0x108  }
0x21: {  	s3 =	sadd.s32 s3, s9;
	s6 =	sadd.s32 @!p0 $0x88, s6;
	s7 =	simm.s32 @p2 $0x1082  }
0x22: {  	[simem:s7], [sflag:s8] =	dma.local @!p0 [hbm:s6], $0xF7A  }
0x23: {  	s9 =	sor.u32 $0xD0000000, s2;
	s6 =	simm.s32 $0x108;
	_ =	swait.ge @!p0 [sflag:s8], $0x0  }
0x24: {  	s3 =	sadd.s32 $0x88, s3;
	s6 =	simm.s32 @!p1 $0x1082;
	[sflag:s4] =	ssyncset.s32 $0xFFFFF086  }
0x25: {  	[simem:s6], [sflag:s4] =	dma.local [hbm:s3], $0xF7A  }
0x26: {  	[smem:$0x3F8F] =	sst s1;
	(tag) =	ssettag s2;
	_ =	strace s9  }
0x27: {  	s1 =	sld [smem:$0x3F9F]  }
0x28: {  	s2 =	sld [smem:$0x3FA0]  }
0x29: {  	s4 =	sld [smem:$0x3FA2]  }
0x2a: {  	p0 =	seq.s32 s5, $0x0;
	s5 =	sld [smem:$0x3FA3]  }
0x2b: {  	s6 =	sld [smem:$0x3FA4]  }
0x2c: {  	s7 =	sld [smem:$0x3FA5]  }
0x2d: {  	s3 =	simm.s32 $0x108;
	s8 =	sld [smem:$0x3FA6]  }
0x2e: {  	s3 =	simm.s32 @!p0 $0x1082;
	s9 =	sld [smem:$0x3FA7]  }
0x2f: {  	lr =	sadd.s32 s0, s3;
	s0 =	sld [smem:$0x3F9E]  }
0x30: {  	s3 =	sld [smem:$0x3FA1]  }
0x31: {  	[smem:$0x3FAA] =	sst s10  }
0x32: {  	s10 =	sld [smem:$0x3FA8];
	_ =	sdelay $0x3  }
0x33: {  	p0 =	seq.s32 s10, $0x1;
	s10 =	sld [smem:$0x3FAA];
	_ =	sdelay $0x3  }
0x34: {  	[smem:$0x3FAA] =	sst s10  }
0x35: {  	s10 =	sld [smem:$0x3FA9];
	_ =	sdelay $0x3  }
0x36: {  	p1 =	seq.s32 s10, $0x1;
	s10 =	sld [smem:$0x3FAA];
	_ =	sdelay $0x3  }
0x37: {  	[smem:$0x3FAA] =	sst s10  }
0x38: {  	s10 =	sld [smem:$0x3FAB]  }
0x39: {  	_ = 	snop;
	(pc) =	sbr.ind lr, $3  }
0x3a: {  	_ = 	snop  }
0x3b: {  	_ = 	snop  }
0x3c: {  	p2 =	seq.s32 s10, $0x1;
	s10 =	sld [smem:$0x3FAA]  }
0x3d: {  	_ =	shalt  }
0x3e: {  	_ =	shalt  }
0x3f: {  	_ =	shalt  }
0x40: {  	_ =	shalt  }
0x41: {  	_ =	shalt  }
0x42: {  	_ =	shalt  }
0x43: {  	_ =	shalt  }
0x44: {  	_ =	shalt  }
0x45: {  	_ =	shalt  }
0x46: {  	_ =	shalt  }
0x47: {  	_ =	shalt  }
0x48: {  	_ =	shalt  }
0x49: {  	_ =	shalt  }
0x4a: {  	_ =	shalt  }
0x4b: {  	_ =	shalt  }
0x4c: {  	_ =	shalt  }
0x4d: {  	_ =	shalt  }
0x4e: {  	_ =	shalt  }
0x4f: {  	_ =	shalt  }
0x50: {  	_ =	shalt  }
0x51: {  	_ =	shalt  }
0x52: {  	_ =	shalt  }
0x53: {  	_ =	shalt  }
0x54: {  	_ =	shalt  }
0x55: {  	_ =	shalt  }
0x56: {  	_ =	shalt  }
0x57: {  	_ =	shalt  }
0x58: {  	_ =	shalt  }
0x59: {  	_ =	shalt  }
0x5a: {  	_ =	shalt  }
0x5b: {  	_ =	shalt  }
0x5c: {  	_ =	shalt  }
0x5d: {  	_ =	shalt  }
0x5e: {  	_ =	shalt  }
0x5f: {  	_ =	shalt  }
0x60: {  	_ =	shalt  }
0x61: {  	_ =	shalt  }
0x62: {  	_ =	shalt  }
0x63: {  	_ =	shalt  }
0x64: {  	_ =	shalt  }
0x65: {  	_ =	shalt  }
0x66: {  	_ =	shalt  }
0x67: {  	_ =	shalt  }
0x68: {  	_ =	shalt  }
0x69: {  	_ =	shalt  }
0x6a: {  	_ =	shalt  }
0x6b: {  	_ =	shalt  }
0x6c: {  	_ =	shalt  }
0x6d: {  	_ =	shalt  }
0x6e: {  	_ =	shalt  }
0x6f: {  	_ =	shalt  }
0x70: {  	_ =	shalt  }
0x71: {  	_ =	shalt  }
0x72: {  	_ =	shalt  }
0x73: {  	_ =	shalt  }
0x74: {  	_ =	shalt  }
0x75: {  	_ =	shalt  }
0x76: {  	_ =	shalt  }
0x77: {  	_ =	shalt  }
0x78: {  	_ =	shalt  }
0x79: {  	_ =	shalt  }
0x7a: {  	_ =	shalt  }
0x7b: {  	_ =	shalt  }
0x7c: {  	_ =	shalt  }
0x7d: {  	_ =	shalt  }
0x7e: {  	_ =	shalt  }
0x7f: {  	_ =	shalt  }
0x80: {  	_ =	shalt  }
0x81: {  	_ =	shalt  }
0x82: {  	_ =	shalt  }
0x83: {  	_ =	shalt  }
0x84: {  	_ =	shalt  }
0x85: {  	_ =	shalt  }
0x86: {  	_ =	shalt  }
0x87: {  	_ =	shalt  }
.Lfunc_end0:
.L_simem_size_0:
called_computation.1_lowered:
.L_overlay_start_0:
0x88: {  	s2 =	sld [smem:$0x3FD9]  }
0x89: {  	s3 =	sld [smem:$0x3FFE];
	_ =	sdelay $0x1  }
0x8a: {  	s1 =	srdreg.scid  }
0x8b: {  	s0 =	sand.u32 $0x1, s1  }
0x8c: {  	s17 =	sshll.u32 s0, $0xA;
	s2 =	sadd.s32 s3, s2  }
0x8d: {  	s2 =	sadd.s32 s2, s17  }
0x8e: {  	[smem:$0x3FB6] =	sst s2  }
0x8f: {  	_ = 	snop  }
0x90: {  	s2 =	sld [smem:$0x3FD0];
	(tm) =	ssettm $0x1  }
0x91: {  	s18 =	sld [smem:$0x3FFB];
	_ =	sdelay $0x3  }
0x92: {  	_ =	strace s18  }
0x93: {  	s3 =	sld [smem:$0x3FFC];
	_ =	sdelay $0x3  }
0x94: {  	_ =	strace s3  }
0x95: {  	s3 =	sld [smem:$0x3FFD];
	_ =	sdelay $0x3  }
0x96: {  	_ =	strace s3  }
0x97: {  	_ =	strace $0x8FFFFFFF  }
0x98: {  	s19 =	sld [smem:$0x3FDB];
	_ =	sdelay $0x1  }
0x99: {  	s4 =	simm.s32 $_scs_section_size  }
0x9a: {  	s5 =	simm.s32 $_size__tile_overlayer_lowered;
	s6 =	simm.s32 $_tile_overlayer_lowered  }
0x9b: {  	s22 =	simm.s32 $0x1BFF;
	s21 =	sshll.u32 s6, $0x1;
	s3 =	sadd.s32 s4, s19  }
0x9c: {  	s7 =	simm.s32 $0x0;
	s20 =	sshll.u32 s5, $0x1;
	s5 =	sadd.s32 s21, s3  }
0x9d: {  	[timem:s7], [sflag:s22] =	dma.local [hbm:s5], s20  }
0x9e: {  	_ =	swait.ge [sflag:s22], s20  }
0x9f: {  	s4 =	ssub.s32 $0x0, s20;
	[sflag:s22] =	ssyncset.done $0x0  }
0xa0: {  	[sflag:s22] =	ssyncadd.s32 s4;
	_ =	sdelay $0x1  }
0xa1: {  	s23 =	simm.s32 $0x1B8B  }
0xa2: {  	_ =	swait.ge [sflag:s23], $0x1  }
0xa3: {  	[sflag:s23] =	ssyncset.done $0x0  }
0xa4: {  	s25 =	simm.s32 $0x1B8E;
	s24 =	sld [smem:$0x3FFE];
	[sflag:s23] =	ssyncadd.s32 $0xFFFFFFFF  }
0xa5: {  	s26 =	simm.s32 $execute0_lowered;
	[smem:$0x3FD2] =	sst s25  }
0xa6: {  	s5 =	sshll.u32 s26, $0x1;
	_ =	strace $0x80000049;
	[dreg:$0x1] =	wrdreg $0xFFFFFFFF  }
0xa7: {  	s28 =	simm.s32 $_size_execute0_lowered;
	s3 =	sadd.s32 s3, s5;
	[dreg:$0x0] =	wrdreg $0x0  }
0xa8: {  	s5 =	sshll.u32 s28, $0x1;
	[dreg:$0x2] =	wrdreg s3  }
0xa9: {  	[dreg:$0x3] =	wrdreg s5  }
0xaa: {  	[dreg:$0x4] =	wrdreg $0xC0  }
0xab: {  	_ =	task [dreg:s7], $0x5FFFF  }
0xac: {  	[dreg:$0x1] =	wrdreg $0xFFFFFFFF  }
0xad: {  	[dreg:$0x0] =	wrdreg $0x60  }
0xae: {  	[dreg:$0x2] =	wrdreg s24  }
0xaf: {  	[dreg:$0x3] =	wrdreg s2  }
0xb0: {  	[dreg:$0x4] =	wrdreg $0x41000  }
0xb1: {  	[dreg:$0x5] =	wrdreg $0x9  }
0xb2: {  	_ =	task.clear_ibuf [dreg:s7], $0x6FFFF;
	_ =	strace $0x90000049  }
0xb3: {  	s29 =	simm.s32 $0x9;
	_ =	strace $0x8000004B  }
0xb4: {  	_ =	swait.ge [sflag:s29], $0x1  }
0xb5: {  	[sflag:s29] =	ssyncadd.s32 $0xFFFFFFFF  }
0xb6: {  	_ =	strace $0x9000004B  }
0xb7: {  	_ =	sfence  }
0xb8: {  	s30 =	sld [smem:$0x0];
	_ =	sdelay $0x2  }
0xb9: {  	s31 =	sshll.u32 s1, $0xD;
	s1 =	sshrl.u32 s1, $0x2  }
0xba: {  	s3 =	sand.u32 $0x4000, s31;
	s1 =	sadd.s32 s1, s30  }
0xbb: {  	s0 =	sor.u32 s3, s0;
	s1 =	sshll.u32 s1, $0x11  }
0xbc: {  	s0 =	sor.u32 s1, s0  }
0xbd: {  	s0 =	sadd.s32 $0x8F2B, s0  }
0xbe: {  	[sflag:s0] =	ssyncadd.remote.s32 $0x1  }
0xbf: {  	_ =	sfence.sel $0xFFFF  }
0xc0: {  	[dreg:$0x0] =	wrdreg $0xFFFFFFFF;
	(pc) =	sbr.abs _section_cstart, $3  }
0xc1: {  	[dreg:$0x1] =	wrdreg $0xFFFFFFFF  }
0xc2: {  	_ =	task.clear_ibuf [dreg:s7], $0x2FFFF;
	_ =	strace $0x9FFFFFFF  }
0xc3: {  	(tm) =	ssettm $0x7FFFFFFF  }
tec
execute0_lowered:
.L_overlay_start_1:
0x0: {  	(tag) =	ssettag $0x1  }
0x1: {  	s6 =	rddreg [dreg:$0x0]  }
0x2: {  	s8 =	rddreg [dreg:$0x1]  }
0x3: {  	s0 =	srdreg.scid;
	s2 =	stileid.u32  }
0x4: {  	s1 =	rddreg [dreg:$0x2];
	s3 =	simm.s32 $0x0;
	s10 =	smul.u32 $0x13C00, s2  }
0x5: {  	s15 =	simm.s32 $0x1;
	s16 =	simm.s32 $0x0;
	s12 =	smul.u32 $0x4F000, s2  }
0x6: {  	s5 =	sand.u32 $0x1, s0;
	s0 =	rddreg [dreg:$0x3];
	s14 =	smul.u32 $0x4F0, s2  }
0x7: {  	[smem:$0x7FF] =	sst s3;
	s4 =	sadd.s32 $0x7800, s6;
	s9 =	smul.u32 $0x4F00, s5  }
0x8: {  	s13 =	sshll.u32 s2, $0x6;
	s7 =	smul.u32 $0x13C000, s5;
	s30 =	ssub.s32 $0x2, s5  }
0x9: {  	_ =	strace $0x8000004A;
	s5 =	sadd.s32 $0x5000, s6;
	s31 =	sshrl.u32 s30, $0x1  }
0xa: {  	s12 =	sshrl.u32 s12, $0x2;
	s11 =	sadd.s32 s9, s6;
	s7 =	sadd.s32 s10, s7  }
0xb: {  	s10 =	ssub.s32 s30, s31;
	s12 =	sadd.s32 s12, s1;
	s9 =	sadd.s32 s9, s8  }
0xc: {  	s7 =	sshrl.u32 s7, $0x3;
	s11 =	sadd.s32 s14, s11;
	s8 =	smax.u32 s10, $0x1  }
0xd: {  	s9 =	sadd.s32 s14, s9;
	s14 =	simm.s32 $0x100;
	s7 =	sadd.s32 s7, s6  }
0xe: {  	s6 =	sor.u32 $0x1C02, s13;
	s10 =	sadd.s32 $0x57000, s11;
	s11 =	sshrl.u32 s12, $0x3  }
0xf: {  	s12 =	simm.s32 $0x2;
	s13 =	simm.s32 $0x80;
	s7 =	sadd.s32 $0x60E00, s7  }
.LBB2_1:
0x10: {  	[spmem:s11], [sflag:s6] =	dma.local [hbm:s5], $0x2780  }
0x11: {  	_ =	swait.ge [sflag:s12], $0x2780  }
0x12: {  	[sflag:s12] =	ssyncset.done $0x0  }
0x13: {  	[sflag:s12] =	ssyncadd.s32 $0xFFFFD880  }
0x14: {  	s17 =	sadd.s32 $0x0, s10;
	[bflag:$0x0] =	sbarrier.arrive $0xFFFF  }
0x15: {  	[tilespmem:s3], [sflag:$0x2] =	stream.linear.gather [hbm4b:s17+s3], $0x80, $0x38;
	[tilespmem:$0x17D00] =	vst v63  }
0x16: {  	_ =	swait.ge [sflag:s12], $0x80  }
0x17: {  	[sflag:s12] =	ssyncset.done $0x0  }
0x18: {  	s31 =	sadd.s32 $0x0, s9;
	[sflag:s12] =	ssyncadd.s32 $0xFFFFFF80  }
0x19: {  	[tilespmem:s13], [sflag:$0x2] =	stream.linear.gather [hbm4b:s31+s3], $0x80, $0x38;
	[tilespmem:$0x17D00] =	vst v63  }
0x1a: {  	_ =	swait.ge [sflag:s12], $0x80  }
0x1b: {  	[sflag:s12] =	ssyncset.done $0x0  }
0x1c: {  	[sflag:s12] =	ssyncadd.s32 $0xFFFFFF80  }
0x1d: {  	[tilespmem:s14], [sflag:$0x1] =	stream.indirect.gather [hbm4b:s4+s13], $0x80, s3, s13, $0xb8;
	[tilespmem:$0x17D00] =	vst v63  }
0x1e: {  	_ =	swait.ge [sflag:s15], $0x4000  }
0x1f: {  	[sflag:s15] =	ssyncset.done $0x0  }
0x20: {  	[sflag:s15] =	ssyncadd.s32 $0xFFFFC000  }
0x21: {  	[spmem:s1] =	stream.indirect.scatter.add.f32 [tilespmem:s14], [sflag:$0x2], $0x80, s13, s13, $0xb8;
	[tilespmem:$0x17D00] =	vst v63  }
0x22: {  	_ =	swait.ge [sflag:s12], $0x4000  }
0x23: {  	s18 =	simm.s32 $0x20;
	s17 =	simm.s32 $0x10;
	[sflag:s12] =	ssyncset.done $0x0  }
.LBB2_2:
0x24: {  	s19 =	sadd.s32 s17, s10  }
0x25: {  	[sflag:s12] =	ssyncadd.s32 $0xFFFFC000;
	s20 =	smov.u32 s18;
	s21 =	sadd.s32 $0x10, s18  }
0x26: {  	[tilespmem:s3], [sflag:$0x2] =	stream.linear.gather [hbm4b:s19+s3], $0x80, $0x38;
	[tilespmem:$0x17D00] =	vst v63  }
0x27: {  	p0 =	sne.s32 s18, $0x4E0;
	_ =	swait.ge [sflag:s12], $0x80  }
0x28: {  	[sflag:s12] =	ssyncset.done $0x0  }
0x29: {  	s18 =	sadd.s32 s17, s9;
	s17 =	smov.u32 s20;
	[sflag:s12] =	ssyncadd.s32 $0xFFFFFF80  }
0x2a: {  	[tilespmem:s13], [sflag:$0x2] =	stream.linear.gather [hbm4b:s18+s3], $0x80, $0x38;
	[tilespmem:$0x17D00] =	vst v63  }
0x2b: {  	_ =	swait.ge [sflag:s12], $0x80  }
0x2c: {  	[sflag:s12] =	ssyncset.done $0x0  }
0x2d: {  	[sflag:s12] =	ssyncadd.s32 $0xFFFFFF80  }
0x2e: {  	[tilespmem:s14], [sflag:$0x1] =	stream.indirect.gather [hbm4b:s4+s13], $0x80, s3, s13, $0xb8;
	[tilespmem:$0x17D00] =	vst v63  }
0x2f: {  	_ =	swait.ge [sflag:s15], $0x4000  }
.Ltmp0:
0x30: {  	[sflag:s15] =	ssyncset.done $0x0;
	(pc) =	sbr.rel @p0 .LBB2_2-.Ltmp0, $4  }
0x31: {  	[sflag:s15] =	ssyncadd.s32 $0xFFFFC000  }
0x32: {  	[spmem:s1] =	stream.indirect.scatter.add.f32 [tilespmem:s14], [sflag:$0x2], $0x80, s13, s13, $0xb8;
	[tilespmem:$0x17D00] =	vst v63  }
0x33: {  	_ =	swait.ge [sflag:s12], $0x4000  }
0x34: {  	s18 =	smov.u32 s21;
	[sflag:s12] =	ssyncset.done $0x0  }
0x35: {  	s18 =	sadd.s32 s17, s10;
	[sflag:s12] =	ssyncadd.s32 $0xFFFFC000  }
0x36: {  	[tilespmem:s3], [sflag:$0x2] =	stream.linear.gather [hbm4b:s18+s3], $0x80, $0x38;
	[tilespmem:$0x17D00] =	vst v63  }
0x37: {  	_ =	swait.ge [sflag:s12], $0x80  }
0x38: {  	[sflag:s12] =	ssyncset.done $0x0  }
0x39: {  	s31 =	sadd.s32 s17, s9;
	[sflag:s12] =	ssyncadd.s32 $0xFFFFFF80  }
0x3a: {  	[tilespmem:s13], [sflag:$0x2] =	stream.linear.gather [hbm4b:s31+s3], $0x80, $0x38;
	[tilespmem:$0x17D00] =	vst v63  }
0x3b: {  	_ =	swait.ge [sflag:s12], $0x80  }
0x3c: {  	[sflag:s12] =	ssyncset.done $0x0  }
0x3d: {  	[sflag:s12] =	ssyncadd.s32 $0xFFFFFF80  }
0x3e: {  	[tilespmem:s14], [sflag:$0x1] =	stream.indirect.gather [hbm4b:s4+s13], $0x80, s3, s13, $0xb8;
	[tilespmem:$0x17D00] =	vst v63  }
0x3f: {  	_ =	swait.ge [sflag:s15], $0x4000  }
0x40: {  	[sflag:s15] =	ssyncset.done $0x0  }
0x41: {  	[sflag:s15] =	ssyncadd.s32 $0xFFFFC000  }
0x42: {  	[spmem:s1] =	stream.indirect.scatter.add.f32 [tilespmem:s14], [sflag:$0x2], $0x80, s13, s13, $0xb8;
	[tilespmem:$0x17D00] =	vst v63  }
0x43: {  	_ =	swait.ge [sflag:s12], $0x4000  }
0x44: {  	s16 =	sadd.s32 $0x1, s16;
	[sflag:s12] =	ssyncset.done $0x0  }
0x45: {  	p0 =	sne.s32 s16, s8;
	[sflag:s12] =	ssyncadd.s32 $0xFFFFC000  }
.Ltmp1:
0x46: {  	[bflag:$0x0] =	sbarrier.arrive $0xFFFF;
	(pc) =	sbr.rel @p0 .LBB2_1-.Ltmp1, $4  }
0x47: {  	[hbm:s7], [sflag:s6] =	dma.local [spmem:s11], $0x2780  }
0x48: {  	_ =	swait.ge [sflag:s12], $0x2780  }
0x49: {  	[sflag:s12] =	ssyncset.done $0x0  }
0x4a: {  	[sflag:s12] =	ssyncadd.s32 $0xFFFFD880  }
0x4b: {  	_ =	sfence.sel $0x180000  }
0x4c: {  	[bflag:$0x0] =	sbarrier.arrive $0xFFFF  }
0x4d: {  	p0 =	sne.s32 s2, $0x0;
	_ =	strace $0x9000004A  }
0x4e: {  	s0 =	sadd.s32 @!p0 $0x100000, s0;
	[bflag:$0x2] =	sbarrier.arrive $0xFFFF  }
0x4f: {  	[sflag:s0] =	ssyncadd.tile.s32 @!p0 $0x1;
	_ =	shalt  }
.Lfunc_end2:
_tile_overlayer_lowered:
.L_overlay_start_2:
0x50: {  	(tag) =	ssettag $0x2  }
0x51: {  	s0 =	rddreg [dreg:$0x0];
	s2 =	stileid.u32  }
0x52: {  	s1 =	rddreg [dreg:$0x1];
	p0 =	sne.s32 s2, $0x0  }
0x53: {  	s3 =	rddreg [dreg:$0x2];
	[bflag:$0x3] =	sbarrier.arrive $0xFFFF;
	s2 =	simm.s32 @!p0 $0x1C02  }
0x54: {  	[timem:s3], [sflag:s2] =	dma.local @!p0 [hbm:s0], s1  }
0x55: {  	s0 =	simm.s32 @!p0 $0x2  }
0x56: {  	_ =	swait.ge @!p0 [sflag:s0], s1  }
0x57: {  	s1 =	ssub.s32 @!p0 $0x0, s1;
	[sflag:s0] =	ssyncset.done @!p0 $0x0  }
0x58: {  	[sflag:s0] =	ssyncadd.s32 @!p0 s1  }
0x59: {  	[bflag:$0x3] =	sbarrier.arrive $0xFFFF  }
0x5a: {  	_ =	shalt  }

// kernel: kernel.18.cloned.1.call-start
scs
__scs_entry_jumppad:
0x0: {  	(pc) =	sbr.rel $0x88, $3  }
0x1: {  	(tag) =	ssettag $0x0;
	lr =	simm.s32 $0x1  }
0x2: {  	[smem:$0x3F8F] =	sst lr;
	_ =	strace $0xD0000000  }
0x3: {  	_ = 	snop  }
0x4: {  	_ = 	snop  }
0x5: {  	_ = 	snop  }
0x6: {  	_ = 	snop  }
0x7: {  	_ = 	snop  }
__scs_overlays_trampoline_lowered:
0x8: {  	[smem:$0x3F9E] =	sst s0  }
0x9: {  	[smem:$0x3F9F] =	sst s1  }
0xa: {  	[smem:$0x3FA0] =	sst s2  }
0xb: {  	[smem:$0x3FA1] =	sst s3  }
0xc: {  	[smem:$0x3FA2] =	sst s4  }
0xd: {  	[smem:$0x3FA3] =	sst s5  }
0xe: {  	[smem:$0x3FA4] =	sst s6  }
0xf: {  	[smem:$0x3FA5] =	sst s7  }
0x10: {  	[smem:$0x3FA6] =	sst s8  }
0x11: {  	[smem:$0x3FA7] =	sst s9;
	s0 =	simm.s32 @!p0 $0x0  }
0x12: {  	s1 =	sld [smem:$0x3F8D];
	s0 =	simm.s32 @p0 $0x1  }
0x13: {  	[smem:$0x3FA8] =	sst s0;
	s0 =	simm.s32 @!p1 $0x0  }
0x14: {  	s2 =	sld [smem:$0x3F8C];
	s0 =	simm.s32 @p1 $0x1  }
0x15: {  	[smem:$0x3FA9] =	sst s0;
	s0 =	simm.s32 @!p2 $0x0  }
0x16: {  	s3 =	sld [smem:$0x3FDB];
	s0 =	simm.s32 @p2 $0x1  }
0x17: {  	s4 =	simm.s32 $0x1BF5;
	[smem:$0x3FAB] =	sst s0  }
0x18: {  	s0 =	sld [smem:$0x3F8E];
	_ =	swait.ge [sflag:s4], $0x0  }
0x19: {  	s7 =	sld [smem:$0x3F8F]  }
0x1a: {  	s8 =	sadd.s32 $0xFFFFE003, lr  }
0x1b: {  	s9 =	sadd.s32 $0xFFFFFEF7, lr;
	s5 =	simm.s32 $0xFFFFFFFF;
	p2 =	slt.u32 s8, $0xFFFFF086  }
0x1c: {  	p1 =	slt.u32 s9, $0xF7A;
	s5 =	simm.s32 @!p2 $0x0  }
0x1d: {  	s5 =	simm.s32 @p1 $0x1;
	p0 =	seq.s32 s7, s2  }
0x1e: {  	s7 =	smul.u32 @!p0 $0xF7A, s2;
	p2 =	seq.s32 @!p0 s5, $0x0  }
0x1f: {  	s9 =	smul.u32 $0xF7A, s1;
	s8 =	simm.s32 @!p0 $0x1BF5;
	p2 =	por !p2, p0  }
0x20: {  	[sflag:s8] =	ssyncset.s32 @!p0 $0xFFFFF086;
	s6 =	sadd.s32 @!p0 s3, s7;
	s7 =	simm.s32 @!p0 $0x108  }
0x21: {  	s3 =	sadd.s32 s3, s9;
	s6 =	sadd.s32 @!p0 $0x88, s6;
	s7 =	simm.s32 @p2 $0x1082  }
0x22: {  	[simem:s7], [sflag:s8] =	dma.local @!p0 [hbm:s6], $0xF7A  }
0x23: {  	s9 =	sor.u32 $0xD0000000, s2;
	s6 =	simm.s32 $0x108;
	_ =	swait.ge @!p0 [sflag:s8], $0x0  }
0x24: {  	s3 =	sadd.s32 $0x88, s3;
	s6 =	simm.s32 @!p1 $0x1082;
	[sflag:s4] =	ssyncset.s32 $0xFFFFF086  }
0x25: {  	[simem:s6], [sflag:s4] =	dma.local [hbm:s3], $0xF7A  }
0x26: {  	[smem:$0x3F8F] =	sst s1;
	(tag) =	ssettag s2;
	_ =	strace s9  }
0x27: {  	s1 =	sld [smem:$0x3F9F]  }
0x28: {  	s2 =	sld [smem:$0x3FA0]  }
0x29: {  	s4 =	sld [smem:$0x3FA2]  }
0x2a: {  	p0 =	seq.s32 s5, $0x0;
	s5 =	sld [smem:$0x3FA3]  }
0x2b: {  	s6 =	sld [smem:$0x3FA4]  }
0x2c: {  	s7 =	sld [smem:$0x3FA5]  }
0x2d: {  	s3 =	simm.s32 $0x108;
	s8 =	sld [smem:$0x3FA6]  }
0x2e: {  	s3 =	simm.s32 @!p0 $0x1082;
	s9 =	sld [smem:$0x3FA7]  }
0x2f: {  	lr =	sadd.s32 s0, s3;
	s0 =	sld [smem:$0x3F9E]  }
0x30: {  	s3 =	sld [smem:$0x3FA1]  }
0x31: {  	[smem:$0x3FAA] =	sst s10  }
0x32: {  	s10 =	sld [smem:$0x3FA8];
	_ =	sdelay $0x3  }
0x33: {  	p0 =	seq.s32 s10, $0x1;
	s10 =	sld [smem:$0x3FAA];
	_ =	sdelay $0x3  }
0x34: {  	[smem:$0x3FAA] =	sst s10  }
0x35: {  	s10 =	sld [smem:$0x3FA9];
	_ =	sdelay $0x3  }
0x36: {  	p1 =	seq.s32 s10, $0x1;
	s10 =	sld [smem:$0x3FAA];
	_ =	sdelay $0x3  }
0x37: {  	[smem:$0x3FAA] =	sst s10  }
0x38: {  	s10 =	sld [smem:$0x3FAB]  }
0x39: {  	_ = 	snop;
	(pc) =	sbr.ind lr, $3  }
0x3a: {  	_ = 	snop  }
0x3b: {  	_ = 	snop  }
0x3c: {  	p2 =	seq.s32 s10, $0x1;
	s10 =	sld [smem:$0x3FAA]  }
0x3d: {  	_ =	shalt  }
0x3e: {  	_ =	shalt  }
0x3f: {  	_ =	shalt  }
0x40: {  	_ =	shalt  }
0x41: {  	_ =	shalt  }
0x42: {  	_ =	shalt  }
0x43: {  	_ =	shalt  }
0x44: {  	_ =	shalt  }
0x45: {  	_ =	shalt  }
0x46: {  	_ =	shalt  }
0x47: {  	_ =	shalt  }
0x48: {  	_ =	shalt  }
0x49: {  	_ =	shalt  }
0x4a: {  	_ =	shalt  }
0x4b: {  	_ =	shalt  }
0x4c: {  	_ =	shalt  }
0x4d: {  	_ =	shalt  }
0x4e: {  	_ =	shalt  }
0x4f: {  	_ =	shalt  }
0x50: {  	_ =	shalt  }
0x51: {  	_ =	shalt  }
0x52: {  	_ =	shalt  }
0x53: {  	_ =	shalt  }
0x54: {  	_ =	shalt  }
0x55: {  	_ =	shalt  }
0x56: {  	_ =	shalt  }
0x57: {  	_ =	shalt  }
0x58: {  	_ =	shalt  }
0x59: {  	_ =	shalt  }
0x5a: {  	_ =	shalt  }
0x5b: {  	_ =	shalt  }
0x5c: {  	_ =	shalt  }
0x5d: {  	_ =	shalt  }
0x5e: {  	_ =	shalt  }
0x5f: {  	_ =	shalt  }
0x60: {  	_ =	shalt  }
0x61: {  	_ =	shalt  }
0x62: {  	_ =	shalt  }
0x63: {  	_ =	shalt  }
0x64: {  	_ =	shalt  }
0x65: {  	_ =	shalt  }
0x66: {  	_ =	shalt  }
0x67: {  	_ =	shalt  }
0x68: {  	_ =	shalt  }
0x69: {  	_ =	shalt  }
0x6a: {  	_ =	shalt  }
0x6b: {  	_ =	shalt  }
0x6c: {  	_ =	shalt  }
0x6d: {  	_ =	shalt  }
0x6e: {  	_ =	shalt  }
0x6f: {  	_ =	shalt  }
0x70: {  	_ =	shalt  }
0x71: {  	_ =	shalt  }
0x72: {  	_ =	shalt  }
0x73: {  	_ =	shalt  }
0x74: {  	_ =	shalt  }
0x75: {  	_ =	shalt  }
0x76: {  	_ =	shalt  }
0x77: {  	_ =	shalt  }
0x78: {  	_ =	shalt  }
0x79: {  	_ =	shalt  }
0x7a: {  	_ =	shalt  }
0x7b: {  	_ =	shalt  }
0x7c: {  	_ =	shalt  }
0x7d: {  	_ =	shalt  }
0x7e: {  	_ =	shalt  }
0x7f: {  	_ =	shalt  }
0x80: {  	_ =	shalt  }
0x81: {  	_ =	shalt  }
0x82: {  	_ =	shalt  }
0x83: {  	_ =	shalt  }
0x84: {  	_ =	shalt  }
0x85: {  	_ =	shalt  }
0x86: {  	_ =	shalt  }
0x87: {  	_ =	shalt  }
.Lfunc_end0:
.L_simem_size_0:
called_computation.2_lowered:
.L_overlay_start_0:
0x88: {  	s2 =	sld [smem:$0x3FD9]  }
0x89: {  	s3 =	sld [smem:$0x3FFE];
	_ =	sdelay $0x1  }
0x8a: {  	s1 =	srdreg.scid  }
0x8b: {  	s0 =	sand.u32 $0x1, s1  }
0x8c: {  	s17 =	sshll.u32 s0, $0xA;
	s2 =	sadd.s32 s3, s2  }
0x8d: {  	s2 =	sadd.s32 s2, s17  }
0x8e: {  	[smem:$0x3FB6] =	sst s2  }
0x8f: {  	_ = 	snop  }
0x90: {  	s2 =	sld [smem:$0x3FD0];
	(tm) =	ssettm $0x1  }
0x91: {  	s18 =	sld [smem:$0x3FFB];
	_ =	sdelay $0x3  }
0x92: {  	_ =	strace s18  }
0x93: {  	s3 =	sld [smem:$0x3FFC];
	_ =	sdelay $0x3  }
0x94: {  	_ =	strace s3  }
0x95: {  	s3 =	sld [smem:$0x3FFD];
	_ =	sdelay $0x3  }
0x96: {  	_ =	strace s3  }
0x97: {  	_ =	strace $0x8FFFFFFF  }
0x98: {  	s19 =	sld [smem:$0x3FDB];
	_ =	sdelay $0x1  }
0x99: {  	s4 =	simm.s32 $_scs_section_size  }
0x9a: {  	s5 =	simm.s32 $_size__tile_overlayer_lowered;
	s6 =	simm.s32 $_tile_overlayer_lowered  }
0x9b: {  	s22 =	simm.s32 $0x1BFF;
	s21 =	sshll.u32 s6, $0x1;
	s3 =	sadd.s32 s4, s19  }
0x9c: {  	s7 =	simm.s32 $0x0;
	s20 =	sshll.u32 s5, $0x1;
	s5 =	sadd.s32 s21, s3  }
0x9d: {  	[timem:s7], [sflag:s22] =	dma.local [hbm:s5], s20  }
0x9e: {  	_ =	swait.ge [sflag:s22], s20  }
0x9f: {  	s4 =	ssub.s32 $0x0, s20;
	[sflag:s22] =	ssyncset.done $0x0  }
0xa0: {  	[sflag:s22] =	ssyncadd.s32 s4;
	_ =	sdelay $0x1  }
0xa1: {  	s23 =	simm.s32 $0x1B8B  }
0xa2: {  	_ =	swait.ge [sflag:s23], $0x1  }
0xa3: {  	[sflag:s23] =	ssyncset.done $0x0  }
0xa4: {  	s25 =	simm.s32 $0x1B8E;
	s24 =	sld [smem:$0x3FFE];
	[sflag:s23] =	ssyncadd.s32 $0xFFFFFFFF  }
0xa5: {  	s26 =	simm.s32 $execute0_lowered;
	[smem:$0x3FD2] =	sst s25  }
0xa6: {  	s5 =	sshll.u32 s26, $0x1;
	_ =	strace $0x8000004C;
	[dreg:$0x1] =	wrdreg $0xFFFFFFFF  }
0xa7: {  	s28 =	simm.s32 $_size_execute0_lowered;
	s3 =	sadd.s32 s3, s5;
	[dreg:$0x0] =	wrdreg $0x0  }
0xa8: {  	s5 =	sshll.u32 s28, $0x1;
	[dreg:$0x2] =	wrdreg s3  }
0xa9: {  	[dreg:$0x3] =	wrdreg s5  }
0xaa: {  	[dreg:$0x4] =	wrdreg $0xC0  }
0xab: {  	_ =	task [dreg:s7], $0x5FFFF  }
0xac: {  	[dreg:$0x1] =	wrdreg $0xFFFFFFFF  }
0xad: {  	[dreg:$0x0] =	wrdreg $0x60  }
0xae: {  	[dreg:$0x2] =	wrdreg s24  }
0xaf: {  	[dreg:$0x3] =	wrdreg s2  }
0xb0: {  	[dreg:$0x4] =	wrdreg $0x41000  }
0xb1: {  	[dreg:$0x5] =	wrdreg $0x9  }
0xb2: {  	_ =	task.clear_ibuf [dreg:s7], $0x6FFFF;
	_ =	strace $0x9000004C  }
0xb3: {  	s29 =	simm.s32 $0x9;
	_ =	strace $0x8000004E  }
0xb4: {  	_ =	swait.ge [sflag:s29], $0x1  }
0xb5: {  	[sflag:s29] =	ssyncadd.s32 $0xFFFFFFFF  }
0xb6: {  	_ =	strace $0x9000004E  }
0xb7: {  	_ =	sfence  }
0xb8: {  	s30 =	sld [smem:$0x0];
	_ =	sdelay $0x2  }
0xb9: {  	s31 =	sshll.u32 s1, $0xD;
	s1 =	sshrl.u32 s1, $0x2  }
0xba: {  	s3 =	sand.u32 $0x4000, s31;
	s1 =	sadd.s32 s1, s30  }
0xbb: {  	s0 =	sor.u32 s3, s0;
	s1 =	sshll.u32 s1, $0x11  }
0xbc: {  	s0 =	sor.u32 s1, s0  }
0xbd: {  	s0 =	sadd.s32 $0x8F2B, s0  }
0xbe: {  	[sflag:s0] =	ssyncadd.remote.s32 $0x1  }
0xbf: {  	_ =	sfence.sel $0xFFFF  }
0xc0: {  	[dreg:$0x0] =	wrdreg $0xFFFFFFFF;
	(pc) =	sbr.abs _section_cstart, $3  }
0xc1: {  	[dreg:$0x1] =	wrdreg $0xFFFFFFFF  }
0xc2: {  	_ =	task.clear_ibuf [dreg:s7], $0x2FFFF;
	_ =	strace $0x9FFFFFFF  }
0xc3: {  	(tm) =	ssettm $0x7FFFFFFF  }
tec
execute0_lowered:
.L_overlay_start_1:
0x0: {  	(tag) =	ssettag $0x1  }
0x1: {  	s6 =	rddreg [dreg:$0x0]  }
0x2: {  	s8 =	rddreg [dreg:$0x1]  }
0x3: {  	s0 =	srdreg.scid;
	s2 =	stileid.u32  }
0x4: {  	s1 =	rddreg [dreg:$0x2];
	s3 =	simm.s32 $0x0;
	s10 =	smul.u32 $0x13C00, s2  }
0x5: {  	s15 =	simm.s32 $0x1;
	s16 =	simm.s32 $0x0;
	s12 =	smul.u32 $0x4F000, s2  }
0x6: {  	s5 =	sand.u32 $0x1, s0;
	s0 =	rddreg [dreg:$0x3];
	s14 =	smul.u32 $0x4F0, s2  }
0x7: {  	[smem:$0x7FF] =	sst s3;
	s4 =	sadd.s32 $0x7800, s6;
	s9 =	smul.u32 $0x4F00, s5  }
0x8: {  	s13 =	sshll.u32 s2, $0x6;
	s7 =	smul.u32 $0x13C000, s5;
	s30 =	ssub.s32 $0x2, s5  }
0x9: {  	_ =	strace $0x8000004D;
	s5 =	sadd.s32 $0x5000, s6;
	s31 =	sshrl.u32 s30, $0x1  }
0xa: {  	s12 =	sshrl.u32 s12, $0x2;
	s11 =	sadd.s32 s9, s6;
	s7 =	sadd.s32 s10, s7  }
0xb: {  	s10 =	ssub.s32 s30, s31;
	s12 =	sadd.s32 s12, s1;
	s9 =	sadd.s32 s9, s8  }
0xc: {  	s7 =	sshrl.u32 s7, $0x3;
	s11 =	sadd.s32 s14, s11;
	s8 =	smax.u32 s10, $0x1  }
0xd: {  	s9 =	sadd.s32 s14, s9;
	s14 =	simm.s32 $0x100;
	s7 =	sadd.s32 s7, s6  }
0xe: {  	s6 =	sor.u32 $0x1C02, s13;
	s10 =	sadd.s32 $0x57000, s11;
	s11 =	sshrl.u32 s12, $0x3  }
0xf: {  	s12 =	simm.s32 $0x2;
	s13 =	simm.s32 $0x80;
	s7 =	sadd.s32 $0x60E00, s7  }
.LBB2_1:
0x10: {  	[spmem:s11], [sflag:s6] =	dma.local [hbm:s5], $0x2780  }
0x11: {  	_ =	swait.ge [sflag:s12], $0x2780  }
0x12: {  	[sflag:s12] =	ssyncset.done $0x0  }
0x13: {  	[sflag:s12] =	ssyncadd.s32 $0xFFFFD880  }
0x14: {  	s17 =	sadd.s32 $0x0, s10;
	[bflag:$0x0] =	sbarrier.arrive $0xFFFF  }
0x15: {  	[tilespmem:s3], [sflag:$0x2] =	stream.linear.gather [hbm4b:s17+s3], $0x80, $0x38;
	[tilespmem:$0x17D00] =	vst v63  }
0x16: {  	_ =	swait.ge [sflag:s12], $0x80  }
0x17: {  	[sflag:s12] =	ssyncset.done $0x0  }
0x18: {  	s31 =	sadd.s32 $0x0, s9;
	[sflag:s12] =	ssyncadd.s32 $0xFFFFFF80  }
0x19: {  	[tilespmem:s13], [sflag:$0x2] =	stream.linear.gather [hbm4b:s31+s3], $0x80, $0x38;
	[tilespmem:$0x17D00] =	vst v63  }
0x1a: {  	_ =	swait.ge [sflag:s12], $0x80  }
0x1b: {  	[sflag:s12] =	ssyncset.done $0x0  }
0x1c: {  	[sflag:s12] =	ssyncadd.s32 $0xFFFFFF80  }
0x1d: {  	[tilespmem:s14], [sflag:$0x1] =	stream.indirect.gather [hbm4b:s4+s13], $0x80, s3, s13, $0xb8;
	[tilespmem:$0x17D00] =	vst v63  }
0x1e: {  	_ =	swait.ge [sflag:s15], $0x4000  }
0x1f: {  	[sflag:s15] =	ssyncset.done $0x0  }
0x20: {  	[sflag:s15] =	ssyncadd.s32 $0xFFFFC000  }
0x21: {  	[spmem:s1] =	stream.indirect.scatter.add.f32 [tilespmem:s14], [sflag:$0x2], $0x80, s13, s13, $0xb8;
	[tilespmem:$0x17D00] =	vst v63  }
0x22: {  	_ =	swait.ge [sflag:s12], $0x4000  }
0x23: {  	s18 =	simm.s32 $0x20;
	s17 =	simm.s32 $0x10;
	[sflag:s12] =	ssyncset.done $0x0  }
.LBB2_2:
0x24: {  	s19 =	sadd.s32 s17, s10  }
0x25: {  	[sflag:s12] =	ssyncadd.s32 $0xFFFFC000;
	s20 =	smov.u32 s18;
	s21 =	sadd.s32 $0x10, s18  }
0x26: {  	[tilespmem:s3], [sflag:$0x2] =	stream.linear.gather [hbm4b:s19+s3], $0x80, $0x38;
	[tilespmem:$0x17D00] =	vst v63  }
0x27: {  	p0 =	sne.s32 s18, $0x4E0;
	_ =	swait.ge [sflag:s12], $0x80  }
0x28: {  	[sflag:s12] =	ssyncset.done $0x0  }
0x29: {  	s18 =	sadd.s32 s17, s9;
	s17 =	smov.u32 s20;
	[sflag:s12] =	ssyncadd.s32 $0xFFFFFF80  }
0x2a: {  	[tilespmem:s13], [sflag:$0x2] =	stream.linear.gather [hbm4b:s18+s3], $0x80, $0x38;
	[tilespmem:$0x17D00] =	vst v63  }
0x2b: {  	_ =	swait.ge [sflag:s12], $0x80  }
0x2c: {  	[sflag:s12] =	ssyncset.done $0x0  }
0x2d: {  	[sflag:s12] =	ssyncadd.s32 $0xFFFFFF80  }
0x2e: {  	[tilespmem:s14], [sflag:$0x1] =	stream.indirect.gather [hbm4b:s4+s13], $0x80, s3, s13, $0xb8;
	[tilespmem:$0x17D00] =	vst v63  }
0x2f: {  	_ =	swait.ge [sflag:s15], $0x4000  }
.Ltmp0:
0x30: {  	[sflag:s15] =	ssyncset.done $0x0;
	(pc) =	sbr.rel @p0 .LBB2_2-.Ltmp0, $4  }
0x31: {  	[sflag:s15] =	ssyncadd.s32 $0xFFFFC000  }
0x32: {  	[spmem:s1] =	stream.indirect.scatter.add.f32 [tilespmem:s14], [sflag:$0x2], $0x80, s13, s13, $0xb8;
	[tilespmem:$0x17D00] =	vst v63  }
0x33: {  	_ =	swait.ge [sflag:s12], $0x4000  }
0x34: {  	s18 =	smov.u32 s21;
	[sflag:s12] =	ssyncset.done $0x0  }
0x35: {  	s18 =	sadd.s32 s17, s10;
	[sflag:s12] =	ssyncadd.s32 $0xFFFFC000  }
0x36: {  	[tilespmem:s3], [sflag:$0x2] =	stream.linear.gather [hbm4b:s18+s3], $0x80, $0x38;
	[tilespmem:$0x17D00] =	vst v63  }
0x37: {  	_ =	swait.ge [sflag:s12], $0x80  }
0x38: {  	[sflag:s12] =	ssyncset.done $0x0  }
0x39: {  	s31 =	sadd.s32 s17, s9;
	[sflag:s12] =	ssyncadd.s32 $0xFFFFFF80  }
0x3a: {  	[tilespmem:s13], [sflag:$0x2] =	stream.linear.gather [hbm4b:s31+s3], $0x80, $0x38;
	[tilespmem:$0x17D00] =	vst v63  }
0x3b: {  	_ =	swait.ge [sflag:s12], $0x80  }
0x3c: {  	[sflag:s12] =	ssyncset.done $0x0  }
0x3d: {  	[sflag:s12] =	ssyncadd.s32 $0xFFFFFF80  }
0x3e: {  	[tilespmem:s14], [sflag:$0x1] =	stream.indirect.gather [hbm4b:s4+s13], $0x80, s3, s13, $0xb8;
	[tilespmem:$0x17D00] =	vst v63  }
0x3f: {  	_ =	swait.ge [sflag:s15], $0x4000  }
0x40: {  	[sflag:s15] =	ssyncset.done $0x0  }
0x41: {  	[sflag:s15] =	ssyncadd.s32 $0xFFFFC000  }
0x42: {  	[spmem:s1] =	stream.indirect.scatter.add.f32 [tilespmem:s14], [sflag:$0x2], $0x80, s13, s13, $0xb8;
	[tilespmem:$0x17D00] =	vst v63  }
0x43: {  	_ =	swait.ge [sflag:s12], $0x4000  }
0x44: {  	s16 =	sadd.s32 $0x1, s16;
	[sflag:s12] =	ssyncset.done $0x0  }
0x45: {  	p0 =	sne.s32 s16, s8;
	[sflag:s12] =	ssyncadd.s32 $0xFFFFC000  }
.Ltmp1:
0x46: {  	[bflag:$0x0] =	sbarrier.arrive $0xFFFF;
	(pc) =	sbr.rel @p0 .LBB2_1-.Ltmp1, $4  }
0x47: {  	[hbm:s7], [sflag:s6] =	dma.local [spmem:s11], $0x2780  }
0x48: {  	_ =	swait.ge [sflag:s12], $0x2780  }
0x49: {  	[sflag:s12] =	ssyncset.done $0x0  }
0x4a: {  	[sflag:s12] =	ssyncadd.s32 $0xFFFFD880  }
0x4b: {  	_ =	sfence.sel $0x180000  }
0x4c: {  	[bflag:$0x0] =	sbarrier.arrive $0xFFFF  }
0x4d: {  	p0 =	sne.s32 s2, $0x0;
	_ =	strace $0x9000004D  }
0x4e: {  	s0 =	sadd.s32 @!p0 $0x100000, s0;
	[bflag:$0x2] =	sbarrier.arrive $0xFFFF  }
0x4f: {  	[sflag:s0] =	ssyncadd.tile.s32 @!p0 $0x1;
	_ =	shalt  }
.Lfunc_end2:
_tile_overlayer_lowered:
.L_overlay_start_2:
0x50: {  	(tag) =	ssettag $0x2  }
0x51: {  	s0 =	rddreg [dreg:$0x0];
	s2 =	stileid.u32  }
0x52: {  	s1 =	rddreg [dreg:$0x1];
	p0 =	sne.s32 s2, $0x0  }
0x53: {  	s3 =	rddreg [dreg:$0x2];
	[bflag:$0x3] =	sbarrier.arrive $0xFFFF;
	s2 =	simm.s32 @!p0 $0x1C02  }
0x54: {  	[timem:s3], [sflag:s2] =	dma.local @!p0 [hbm:s0], s1  }
0x55: {  	s0 =	simm.s32 @!p0 $0x2  }
0x56: {  	_ =	swait.ge @!p0 [sflag:s0], s1  }
0x57: {  	s1 =	ssub.s32 @!p0 $0x0, s1;
	[sflag:s0] =	ssyncset.done @!p0 $0x0  }
0x58: {  	[sflag:s0] =	ssyncadd.s32 @!p0 s1  }
0x59: {  	[bflag:$0x3] =	sbarrier.arrive $0xFFFF  }
0x5a: {  	_ =	shalt  }

// kernel: kernel.21.cloned.1.call-start
scs
__scs_entry_jumppad:
0x0: {  	(pc) =	sbr.rel $0x88, $3  }
0x1: {  	(tag) =	ssettag $0x0;
	lr =	simm.s32 $0x1  }
0x2: {  	[smem:$0x3F8F] =	sst lr;
	_ =	strace $0xD0000000  }
0x3: {  	_ = 	snop  }
0x4: {  	_ = 	snop  }
0x5: {  	_ = 	snop  }
0x6: {  	_ = 	snop  }
0x7: {  	_ = 	snop  }
__scs_overlays_trampoline_lowered:
0x8: {  	[smem:$0x3F9E] =	sst s0  }
0x9: {  	[smem:$0x3F9F] =	sst s1  }
0xa: {  	[smem:$0x3FA0] =	sst s2  }
0xb: {  	[smem:$0x3FA1] =	sst s3  }
0xc: {  	[smem:$0x3FA2] =	sst s4  }
0xd: {  	[smem:$0x3FA3] =	sst s5  }
0xe: {  	[smem:$0x3FA4] =	sst s6  }
0xf: {  	[smem:$0x3FA5] =	sst s7  }
0x10: {  	[smem:$0x3FA6] =	sst s8  }
0x11: {  	[smem:$0x3FA7] =	sst s9;
	s0 =	simm.s32 @!p0 $0x0  }
0x12: {  	s1 =	sld [smem:$0x3F8D];
	s0 =	simm.s32 @p0 $0x1  }
0x13: {  	[smem:$0x3FA8] =	sst s0;
	s0 =	simm.s32 @!p1 $0x0  }
0x14: {  	s2 =	sld [smem:$0x3F8C];
	s0 =	simm.s32 @p1 $0x1  }
0x15: {  	[smem:$0x3FA9] =	sst s0;
	s0 =	simm.s32 @!p2 $0x0  }
0x16: {  	s3 =	sld [smem:$0x3FDB];
	s0 =	simm.s32 @p2 $0x1  }
0x17: {  	s4 =	simm.s32 $0x1BF5;
	[smem:$0x3FAB] =	sst s0  }
0x18: {  	s0 =	sld [smem:$0x3F8E];
	_ =	swait.ge [sflag:s4], $0x0  }
0x19: {  	s7 =	sld [smem:$0x3F8F]  }
0x1a: {  	s8 =	sadd.s32 $0xFFFFE003, lr  }
0x1b: {  	s9 =	sadd.s32 $0xFFFFFEF7, lr;
	s5 =	simm.s32 $0xFFFFFFFF;
	p2 =	slt.u32 s8, $0xFFFFF086  }
0x1c: {  	p1 =	slt.u32 s9, $0xF7A;
	s5 =	simm.s32 @!p2 $0x0  }
0x1d: {  	s5 =	simm.s32 @p1 $0x1;
	p0 =	seq.s32 s7, s2  }
0x1e: {  	s7 =	smul.u32 @!p0 $0xF7A, s2;
	p2 =	seq.s32 @!p0 s5, $0x0  }
0x1f: {  	s9 =	smul.u32 $0xF7A, s1;
	s8 =	simm.s32 @!p0 $0x1BF5;
	p2 =	por !p2, p0  }
0x20: {  	[sflag:s8] =	ssyncset.s32 @!p0 $0xFFFFF086;
	s6 =	sadd.s32 @!p0 s3, s7;
	s7 =	simm.s32 @!p0 $0x108  }
0x21: {  	s3 =	sadd.s32 s3, s9;
	s6 =	sadd.s32 @!p0 $0x88, s6;
	s7 =	simm.s32 @p2 $0x1082  }
0x22: {  	[simem:s7], [sflag:s8] =	dma.local @!p0 [hbm:s6], $0xF7A  }
0x23: {  	s9 =	sor.u32 $0xD0000000, s2;
	s6 =	simm.s32 $0x108;
	_ =	swait.ge @!p0 [sflag:s8], $0x0  }
0x24: {  	s3 =	sadd.s32 $0x88, s3;
	s6 =	simm.s32 @!p1 $0x1082;
	[sflag:s4] =	ssyncset.s32 $0xFFFFF086  }
0x25: {  	[simem:s6], [sflag:s4] =	dma.local [hbm:s3], $0xF7A  }
0x26: {  	[smem:$0x3F8F] =	sst s1;
	(tag) =	ssettag s2;
	_ =	strace s9  }
0x27: {  	s1 =	sld [smem:$0x3F9F]  }
0x28: {  	s2 =	sld [smem:$0x3FA0]  }
0x29: {  	s4 =	sld [smem:$0x3FA2]  }
0x2a: {  	p0 =	seq.s32 s5, $0x0;
	s5 =	sld [smem:$0x3FA3]  }
0x2b: {  	s6 =	sld [smem:$0x3FA4]  }
0x2c: {  	s7 =	sld [smem:$0x3FA5]  }
0x2d: {  	s3 =	simm.s32 $0x108;
	s8 =	sld [smem:$0x3FA6]  }
0x2e: {  	s3 =	simm.s32 @!p0 $0x1082;
	s9 =	sld [smem:$0x3FA7]  }
0x2f: {  	lr =	sadd.s32 s0, s3;
	s0 =	sld [smem:$0x3F9E]  }
0x30: {  	s3 =	sld [smem:$0x3FA1]  }
0x31: {  	[smem:$0x3FAA] =	sst s10  }
0x32: {  	s10 =	sld [smem:$0x3FA8];
	_ =	sdelay $0x3  }
0x33: {  	p0 =	seq.s32 s10, $0x1;
	s10 =	sld [smem:$0x3FAA];
	_ =	sdelay $0x3  }
0x34: {  	[smem:$0x3FAA] =	sst s10  }
0x35: {  	s10 =	sld [smem:$0x3FA9];
	_ =	sdelay $0x3  }
0x36: {  	p1 =	seq.s32 s10, $0x1;
	s10 =	sld [smem:$0x3FAA];
	_ =	sdelay $0x3  }
0x37: {  	[smem:$0x3FAA] =	sst s10  }
0x38: {  	s10 =	sld [smem:$0x3FAB]  }
0x39: {  	_ = 	snop;
	(pc) =	sbr.ind lr, $3  }
0x3a: {  	_ = 	snop  }
0x3b: {  	_ = 	snop  }
0x3c: {  	p2 =	seq.s32 s10, $0x1;
	s10 =	sld [smem:$0x3FAA]  }
0x3d: {  	_ =	shalt  }
0x3e: {  	_ =	shalt  }
0x3f: {  	_ =	shalt  }
0x40: {  	_ =	shalt  }
0x41: {  	_ =	shalt  }
0x42: {  	_ =	shalt  }
0x43: {  	_ =	shalt  }
0x44: {  	_ =	shalt  }
0x45: {  	_ =	shalt  }
0x46: {  	_ =	shalt  }
0x47: {  	_ =	shalt  }
0x48: {  	_ =	shalt  }
0x49: {  	_ =	shalt  }
0x4a: {  	_ =	shalt  }
0x4b: {  	_ =	shalt  }
0x4c: {  	_ =	shalt  }
0x4d: {  	_ =	shalt  }
0x4e: {  	_ =	shalt  }
0x4f: {  	_ =	shalt  }
0x50: {  	_ =	shalt  }
0x51: {  	_ =	shalt  }
0x52: {  	_ =	shalt  }
0x53: {  	_ =	shalt  }
0x54: {  	_ =	shalt  }
0x55: {  	_ =	shalt  }
0x56: {  	_ =	shalt  }
0x57: {  	_ =	shalt  }
0x58: {  	_ =	shalt  }
0x59: {  	_ =	shalt  }
0x5a: {  	_ =	shalt  }
0x5b: {  	_ =	shalt  }
0x5c: {  	_ =	shalt  }
0x5d: {  	_ =	shalt  }
0x5e: {  	_ =	shalt  }
0x5f: {  	_ =	shalt  }
0x60: {  	_ =	shalt  }
0x61: {  	_ =	shalt  }
0x62: {  	_ =	shalt  }
0x63: {  	_ =	shalt  }
0x64: {  	_ =	shalt  }
0x65: {  	_ =	shalt  }
0x66: {  	_ =	shalt  }
0x67: {  	_ =	shalt  }
0x68: {  	_ =	shalt  }
0x69: {  	_ =	shalt  }
0x6a: {  	_ =	shalt  }
0x6b: {  	_ =	shalt  }
0x6c: {  	_ =	shalt  }
0x6d: {  	_ =	shalt  }
0x6e: {  	_ =	shalt  }
0x6f: {  	_ =	shalt  }
0x70: {  	_ =	shalt  }
0x71: {  	_ =	shalt  }
0x72: {  	_ =	shalt  }
0x73: {  	_ =	shalt  }
0x74: {  	_ =	shalt  }
0x75: {  	_ =	shalt  }
0x76: {  	_ =	shalt  }
0x77: {  	_ =	shalt  }
0x78: {  	_ =	shalt  }
0x79: {  	_ =	shalt  }
0x7a: {  	_ =	shalt  }
0x7b: {  	_ =	shalt  }
0x7c: {  	_ =	shalt  }
0x7d: {  	_ =	shalt  }
0x7e: {  	_ =	shalt  }
0x7f: {  	_ =	shalt  }
0x80: {  	_ =	shalt  }
0x81: {  	_ =	shalt  }
0x82: {  	_ =	shalt  }
0x83: {  	_ =	shalt  }
0x84: {  	_ =	shalt  }
0x85: {  	_ =	shalt  }
0x86: {  	_ =	shalt  }
0x87: {  	_ =	shalt  }
.Lfunc_end0:
.L_simem_size_0:
called_computation.3_lowered:
.L_overlay_start_0:
0x88: {  	s2 =	sld [smem:$0x3FD9]  }
0x89: {  	s3 =	sld [smem:$0x3FFE];
	_ =	sdelay $0x1  }
0x8a: {  	s1 =	srdreg.scid  }
0x8b: {  	s0 =	sand.u32 $0x1, s1  }
0x8c: {  	s17 =	sshll.u32 s0, $0xA;
	s2 =	sadd.s32 s3, s2  }
0x8d: {  	s2 =	sadd.s32 s2, s17  }
0x8e: {  	[smem:$0x3FB6] =	sst s2  }
0x8f: {  	_ = 	snop  }
0x90: {  	s2 =	sld [smem:$0x3FD0];
	(tm) =	ssettm $0x1  }
0x91: {  	s18 =	sld [smem:$0x3FFB];
	_ =	sdelay $0x3  }
0x92: {  	_ =	strace s18  }
0x93: {  	s3 =	sld [smem:$0x3FFC];
	_ =	sdelay $0x3  }
0x94: {  	_ =	strace s3  }
0x95: {  	s3 =	sld [smem:$0x3FFD];
	_ =	sdelay $0x3  }
0x96: {  	_ =	strace s3  }
0x97: {  	_ =	strace $0x8FFFFFFF  }
0x98: {  	s19 =	sld [smem:$0x3FDB];
	_ =	sdelay $0x1  }
0x99: {  	s4 =	simm.s32 $_scs_section_size  }
0x9a: {  	s5 =	simm.s32 $_size__tile_overlayer_lowered;
	s6 =	simm.s32 $_tile_overlayer_lowered  }
0x9b: {  	s22 =	simm.s32 $0x1BFF;
	s21 =	sshll.u32 s6, $0x1;
	s3 =	sadd.s32 s4, s19  }
0x9c: {  	s7 =	simm.s32 $0x0;
	s20 =	sshll.u32 s5, $0x1;
	s5 =	sadd.s32 s21, s3  }
0x9d: {  	[timem:s7], [sflag:s22] =	dma.local [hbm:s5], s20  }
0x9e: {  	_ =	swait.ge [sflag:s22], s20  }
0x9f: {  	s4 =	ssub.s32 $0x0, s20;
	[sflag:s22] =	ssyncset.done $0x0  }
0xa0: {  	[sflag:s22] =	ssyncadd.s32 s4;
	_ =	sdelay $0x1  }
0xa1: {  	s23 =	simm.s32 $0x1B8B  }
0xa2: {  	_ =	swait.ge [sflag:s23], $0x1  }
0xa3: {  	[sflag:s23] =	ssyncset.done $0x0  }
0xa4: {  	s25 =	simm.s32 $0x1B8E;
	s24 =	sld [smem:$0x3FFE];
	[sflag:s23] =	ssyncadd.s32 $0xFFFFFFFF  }
0xa5: {  	s26 =	simm.s32 $execute0_lowered;
	[smem:$0x3FD2] =	sst s25  }
0xa6: {  	s5 =	sshll.u32 s26, $0x1;
	_ =	strace $0x8000004F;
	[dreg:$0x1] =	wrdreg $0xFFFFFFFF  }
0xa7: {  	s28 =	simm.s32 $_size_execute0_lowered;
	s3 =	sadd.s32 s3, s5;
	[dreg:$0x0] =	wrdreg $0x0  }
0xa8: {  	s5 =	sshll.u32 s28, $0x1;
	[dreg:$0x2] =	wrdreg s3  }
0xa9: {  	[dreg:$0x3] =	wrdreg s5  }
0xaa: {  	[dreg:$0x4] =	wrdreg $0xC0  }
0xab: {  	_ =	task [dreg:s7], $0x5FFFF  }
0xac: {  	[dreg:$0x1] =	wrdreg $0xFFFFFFFF  }
0xad: {  	[dreg:$0x0] =	wrdreg $0x60  }
0xae: {  	[dreg:$0x2] =	wrdreg s24  }
0xaf: {  	[dreg:$0x3] =	wrdreg s2  }
0xb0: {  	[dreg:$0x4] =	wrdreg $0x41000  }
0xb1: {  	[dreg:$0x5] =	wrdreg $0x9  }
0xb2: {  	_ =	task.clear_ibuf [dreg:s7], $0x6FFFF;
	_ =	strace $0x9000004F  }
0xb3: {  	s29 =	simm.s32 $0x9;
	_ =	strace $0x80000051  }
0xb4: {  	_ =	swait.ge [sflag:s29], $0x1  }
0xb5: {  	[sflag:s29] =	ssyncadd.s32 $0xFFFFFFFF  }
0xb6: {  	_ =	strace $0x90000051  }
0xb7: {  	_ =	sfence  }
0xb8: {  	s30 =	sld [smem:$0x0];
	_ =	sdelay $0x2  }
0xb9: {  	s31 =	sshll.u32 s1, $0xD;
	s1 =	sshrl.u32 s1, $0x2  }
0xba: {  	s3 =	sand.u32 $0x4000, s31;
	s1 =	sadd.s32 s1, s30  }
0xbb: {  	s0 =	sor.u32 s3, s0;
	s1 =	sshll.u32 s1, $0x11  }
0xbc: {  	s0 =	sor.u32 s1, s0  }
0xbd: {  	s0 =	sadd.s32 $0x8F2B, s0  }
0xbe: {  	[sflag:s0] =	ssyncadd.remote.s32 $0x1  }
0xbf: {  	_ =	sfence.sel $0xFFFF  }
0xc0: {  	[dreg:$0x0] =	wrdreg $0xFFFFFFFF;
	(pc) =	sbr.abs _section_cstart, $3  }
0xc1: {  	[dreg:$0x1] =	wrdreg $0xFFFFFFFF  }
0xc2: {  	_ =	task.clear_ibuf [dreg:s7], $0x2FFFF;
	_ =	strace $0x9FFFFFFF  }
0xc3: {  	(tm) =	ssettm $0x7FFFFFFF  }
tec
execute0_lowered:
.L_overlay_start_1:
0x0: {  	(tag) =	ssettag $0x1  }
0x1: {  	s6 =	rddreg [dreg:$0x0]  }
0x2: {  	s8 =	rddreg [dreg:$0x1]  }
0x3: {  	s0 =	srdreg.scid;
	s2 =	stileid.u32  }
0x4: {  	s1 =	rddreg [dreg:$0x2];
	s3 =	simm.s32 $0x0;
	s10 =	smul.u32 $0x13C00, s2  }
0x5: {  	s15 =	simm.s32 $0x1;
	s16 =	simm.s32 $0x0;
	s12 =	smul.u32 $0x4F000, s2  }
0x6: {  	s5 =	sand.u32 $0x1, s0;
	s0 =	rddreg [dreg:$0x3];
	s14 =	smul.u32 $0x4F0, s2  }
0x7: {  	[smem:$0x7FF] =	sst s3;
	s4 =	sadd.s32 $0x7800, s6;
	s9 =	smul.u32 $0x4F00, s5  }
0x8: {  	s13 =	sshll.u32 s2, $0x6;
	s7 =	smul.u32 $0x13C000, s5;
	s30 =	ssub.s32 $0x2, s5  }
0x9: {  	_ =	strace $0x80000050;
	s5 =	sadd.s32 $0x5000, s6;
	s31 =	sshrl.u32 s30, $0x1  }
0xa: {  	s12 =	sshrl.u32 s12, $0x2;
	s11 =	sadd.s32 s9, s6;
	s7 =	sadd.s32 s10, s7  }
0xb: {  	s10 =	ssub.s32 s30, s31;
	s12 =	sadd.s32 s12, s1;
	s9 =	sadd.s32 s9, s8  }
0xc: {  	s7 =	sshrl.u32 s7, $0x3;
	s11 =	sadd.s32 s14, s11;
	s8 =	smax.u32 s10, $0x1  }
0xd: {  	s9 =	sadd.s32 s14, s9;
	s14 =	simm.s32 $0x100;
	s7 =	sadd.s32 s7, s6  }
0xe: {  	s6 =	sor.u32 $0x1C02, s13;
	s10 =	sadd.s32 $0x57000, s11;
	s11 =	sshrl.u32 s12, $0x3  }
0xf: {  	s12 =	simm.s32 $0x2;
	s13 =	simm.s32 $0x80;
	s7 =	sadd.s32 $0x88000, s7  }
.LBB2_1:
0x10: {  	[spmem:s11], [sflag:s6] =	dma.local [hbm:s5], $0x2780  }
0x11: {  	_ =	swait.ge [sflag:s12], $0x2780  }
0x12: {  	[sflag:s12] =	ssyncset.done $0x0  }
0x13: {  	[sflag:s12] =	ssyncadd.s32 $0xFFFFD880  }
0x14: {  	s17 =	sadd.s32 $0x0, s10;
	[bflag:$0x0] =	sbarrier.arrive $0xFFFF  }
0x15: {  	[tilespmem:s3], [sflag:$0x2] =	stream.linear.gather [hbm4b:s17+s3], $0x80, $0x38;
	[tilespmem:$0x17D00] =	vst v63  }
0x16: {  	_ =	swait.ge [sflag:s12], $0x80  }
0x17: {  	[sflag:s12] =	ssyncset.done $0x0  }
0x18: {  	s31 =	sadd.s32 $0x0, s9;
	[sflag:s12] =	ssyncadd.s32 $0xFFFFFF80  }
0x19: {  	[tilespmem:s13], [sflag:$0x2] =	stream.linear.gather [hbm4b:s31+s3], $0x80, $0x38;
	[tilespmem:$0x17D00] =	vst v63  }
0x1a: {  	_ =	swait.ge [sflag:s12], $0x80  }
0x1b: {  	[sflag:s12] =	ssyncset.done $0x0  }
0x1c: {  	[sflag:s12] =	ssyncadd.s32 $0xFFFFFF80  }
0x1d: {  	[tilespmem:s14], [sflag:$0x1] =	stream.indirect.gather [hbm4b:s4+s13], $0x80, s3, s13, $0xb8;
	[tilespmem:$0x17D00] =	vst v63  }
0x1e: {  	_ =	swait.ge [sflag:s15], $0x4000  }
0x1f: {  	[sflag:s15] =	ssyncset.done $0x0  }
0x20: {  	[sflag:s15] =	ssyncadd.s32 $0xFFFFC000  }
0x21: {  	[spmem:s1] =	stream.indirect.scatter.add.f32 [tilespmem:s14], [sflag:$0x2], $0x80, s13, s13, $0xb8;
	[tilespmem:$0x17D00] =	vst v63  }
0x22: {  	_ =	swait.ge [sflag:s12], $0x4000  }
0x23: {  	s18 =	simm.s32 $0x20;
	s17 =	simm.s32 $0x10;
	[sflag:s12] =	ssyncset.done $0x0  }
.LBB2_2:
0x24: {  	s19 =	sadd.s32 s17, s10  }
0x25: {  	[sflag:s12] =	ssyncadd.s32 $0xFFFFC000;
	s20 =	smov.u32 s18;
	s21 =	sadd.s32 $0x10, s18  }
0x26: {  	[tilespmem:s3], [sflag:$0x2] =	stream.linear.gather [hbm4b:s19+s3], $0x80, $0x38;
	[tilespmem:$0x17D00] =	vst v63  }
0x27: {  	p0 =	sne.s32 s18, $0x4E0;
	_ =	swait.ge [sflag:s12], $0x80  }
0x28: {  	[sflag:s12] =	ssyncset.done $0x0  }
0x29: {  	s18 =	sadd.s32 s17, s9;
	s17 =	smov.u32 s20;
	[sflag:s12] =	ssyncadd.s32 $0xFFFFFF80  }
0x2a: {  	[tilespmem:s13], [sflag:$0x2] =	stream.linear.gather [hbm4b:s18+s3], $0x80, $0x38;
	[tilespmem:$0x17D00] =	vst v63  }
0x2b: {  	_ =	swait.ge [sflag:s12], $0x80  }
0x2c: {  	[sflag:s12] =	ssyncset.done $0x0  }
0x2d: {  	[sflag:s12] =	ssyncadd.s32 $0xFFFFFF80  }
0x2e: {  	[tilespmem:s14], [sflag:$0x1] =	stream.indirect.gather [hbm4b:s4+s13], $0x80, s3, s13, $0xb8;
	[tilespmem:$0x17D00] =	vst v63  }
0x2f: {  	_ =	swait.ge [sflag:s15], $0x4000  }
.Ltmp0:
0x30: {  	[sflag:s15] =	ssyncset.done $0x0;
	(pc) =	sbr.rel @p0 .LBB2_2-.Ltmp0, $4  }
0x31: {  	[sflag:s15] =	ssyncadd.s32 $0xFFFFC000  }
0x32: {  	[spmem:s1] =	stream.indirect.scatter.add.f32 [tilespmem:s14], [sflag:$0x2], $0x80, s13, s13, $0xb8;
	[tilespmem:$0x17D00] =	vst v63  }
0x33: {  	_ =	swait.ge [sflag:s12], $0x4000  }
0x34: {  	s18 =	smov.u32 s21;
	[sflag:s12] =	ssyncset.done $0x0  }
0x35: {  	s18 =	sadd.s32 s17, s10;
	[sflag:s12] =	ssyncadd.s32 $0xFFFFC000  }
0x36: {  	[tilespmem:s3], [sflag:$0x2] =	stream.linear.gather [hbm4b:s18+s3], $0x80, $0x38;
	[tilespmem:$0x17D00] =	vst v63  }
0x37: {  	_ =	swait.ge [sflag:s12], $0x80  }
0x38: {  	[sflag:s12] =	ssyncset.done $0x0  }
0x39: {  	s31 =	sadd.s32 s17, s9;
	[sflag:s12] =	ssyncadd.s32 $0xFFFFFF80  }
0x3a: {  	[tilespmem:s13], [sflag:$0x2] =	stream.linear.gather [hbm4b:s31+s3], $0x80, $0x38;
	[tilespmem:$0x17D00] =	vst v63  }
0x3b: {  	_ =	swait.ge [sflag:s12], $0x80  }
0x3c: {  	[sflag:s12] =	ssyncset.done $0x0  }
0x3d: {  	[sflag:s12] =	ssyncadd.s32 $0xFFFFFF80  }
0x3e: {  	[tilespmem:s14], [sflag:$0x1] =	stream.indirect.gather [hbm4b:s4+s13], $0x80, s3, s13, $0xb8;
	[tilespmem:$0x17D00] =	vst v63  }
0x3f: {  	_ =	swait.ge [sflag:s15], $0x4000  }
0x40: {  	[sflag:s15] =	ssyncset.done $0x0  }
0x41: {  	[sflag:s15] =	ssyncadd.s32 $0xFFFFC000  }
0x42: {  	[spmem:s1] =	stream.indirect.scatter.add.f32 [tilespmem:s14], [sflag:$0x2], $0x80, s13, s13, $0xb8;
	[tilespmem:$0x17D00] =	vst v63  }
0x43: {  	_ =	swait.ge [sflag:s12], $0x4000  }
0x44: {  	s16 =	sadd.s32 $0x1, s16;
	[sflag:s12] =	ssyncset.done $0x0  }
0x45: {  	p0 =	sne.s32 s16, s8;
	[sflag:s12] =	ssyncadd.s32 $0xFFFFC000  }
.Ltmp1:
0x46: {  	[bflag:$0x0] =	sbarrier.arrive $0xFFFF;
	(pc) =	sbr.rel @p0 .LBB2_1-.Ltmp1, $4  }
0x47: {  	[hbm:s7], [sflag:s6] =	dma.local [spmem:s11], $0x2780  }
0x48: {  	_ =	swait.ge [sflag:s12], $0x2780  }
0x49: {  	[sflag:s12] =	ssyncset.done $0x0  }
0x4a: {  	[sflag:s12] =	ssyncadd.s32 $0xFFFFD880  }
0x4b: {  	_ =	sfence.sel $0x180000  }
0x4c: {  	[bflag:$0x0] =	sbarrier.arrive $0xFFFF  }
0x4d: {  	p0 =	sne.s32 s2, $0x0;
	_ =	strace $0x90000050  }
0x4e: {  	s0 =	sadd.s32 @!p0 $0x100000, s0;
	[bflag:$0x2] =	sbarrier.arrive $0xFFFF  }
0x4f: {  	[sflag:s0] =	ssyncadd.tile.s32 @!p0 $0x1;
	_ =	shalt  }
.Lfunc_end2:
_tile_overlayer_lowered:
.L_overlay_start_2:
0x50: {  	(tag) =	ssettag $0x2  }
0x51: {  	s0 =	rddreg [dreg:$0x0];
	s2 =	stileid.u32  }
0x52: {  	s1 =	rddreg [dreg:$0x1];
	p0 =	sne.s32 s2, $0x0  }
0x53: {  	s3 =	rddreg [dreg:$0x2];
	[bflag:$0x3] =	sbarrier.arrive $0xFFFF;
	s2 =	simm.s32 @!p0 $0x1C02  }
0x54: {  	[timem:s3], [sflag:s2] =	dma.local @!p0 [hbm:s0], s1  }
0x55: {  	s0 =	simm.s32 @!p0 $0x2  }
0x56: {  	_ =	swait.ge @!p0 [sflag:s0], s1  }
0x57: {  	s1 =	ssub.s32 @!p0 $0x0, s1;
	[sflag:s0] =	ssyncset.done @!p0 $0x0  }
0x58: {  	[sflag:s0] =	ssyncadd.s32 @!p0 s1  }
0x59: {  	[bflag:$0x3] =	sbarrier.arrive $0xFFFF  }
0x5a: {  	_ =	shalt  }

// kernel: kernel.24.cloned.1.call-start
scs
__scs_entry_jumppad:
0x0: {  	(pc) =	sbr.rel $0x88, $3  }
0x1: {  	(tag) =	ssettag $0x0;
	lr =	simm.s32 $0x1  }
0x2: {  	[smem:$0x3F8F] =	sst lr;
	_ =	strace $0xD0000000  }
0x3: {  	_ = 	snop  }
0x4: {  	_ = 	snop  }
0x5: {  	_ = 	snop  }
0x6: {  	_ = 	snop  }
0x7: {  	_ = 	snop  }
__scs_overlays_trampoline_lowered:
0x8: {  	[smem:$0x3F9E] =	sst s0  }
0x9: {  	[smem:$0x3F9F] =	sst s1  }
0xa: {  	[smem:$0x3FA0] =	sst s2  }
0xb: {  	[smem:$0x3FA1] =	sst s3  }
0xc: {  	[smem:$0x3FA2] =	sst s4  }
0xd: {  	[smem:$0x3FA3] =	sst s5  }
0xe: {  	[smem:$0x3FA4] =	sst s6  }
0xf: {  	[smem:$0x3FA5] =	sst s7  }
0x10: {  	[smem:$0x3FA6] =	sst s8  }
0x11: {  	[smem:$0x3FA7] =	sst s9;
	s0 =	simm.s32 @!p0 $0x0  }
0x12: {  	s1 =	sld [smem:$0x3F8D];
	s0 =	simm.s32 @p0 $0x1  }
0x13: {  	[smem:$0x3FA8] =	sst s0;
	s0 =	simm.s32 @!p1 $0x0  }
0x14: {  	s2 =	sld [smem:$0x3F8C];
	s0 =	simm.s32 @p1 $0x1  }
0x15: {  	[smem:$0x3FA9] =	sst s0;
	s0 =	simm.s32 @!p2 $0x0  }
0x16: {  	s3 =	sld [smem:$0x3FDB];
	s0 =	simm.s32 @p2 $0x1  }
0x17: {  	s4 =	simm.s32 $0x1BF5;
	[smem:$0x3FAB] =	sst s0  }
0x18: {  	s0 =	sld [smem:$0x3F8E];
	_ =	swait.ge [sflag:s4], $0x0  }
0x19: {  	s7 =	sld [smem:$0x3F8F]  }
0x1a: {  	s8 =	sadd.s32 $0xFFFFE003, lr  }
0x1b: {  	s9 =	sadd.s32 $0xFFFFFEF7, lr;
	s5 =	simm.s32 $0xFFFFFFFF;
	p2 =	slt.u32 s8, $0xFFFFF086  }
0x1c: {  	p1 =	slt.u32 s9, $0xF7A;
	s5 =	simm.s32 @!p2 $0x0  }
0x1d: {  	s5 =	simm.s32 @p1 $0x1;
	p0 =	seq.s32 s7, s2  }
0x1e: {  	s7 =	smul.u32 @!p0 $0xF7A, s2;
	p2 =	seq.s32 @!p0 s5, $0x0  }
0x1f: {  	s9 =	smul.u32 $0xF7A, s1;
	s8 =	simm.s32 @!p0 $0x1BF5;
	p2 =	por !p2, p0  }
0x20: {  	[sflag:s8] =	ssyncset.s32 @!p0 $0xFFFFF086;
	s6 =	sadd.s32 @!p0 s3, s7;
	s7 =	simm.s32 @!p0 $0x108  }
0x21: {  	s3 =	sadd.s32 s3, s9;
	s6 =	sadd.s32 @!p0 $0x88, s6;
	s7 =	simm.s32 @p2 $0x1082  }
0x22: {  	[simem:s7], [sflag:s8] =	dma.local @!p0 [hbm:s6], $0xF7A  }
0x23: {  	s9 =	sor.u32 $0xD0000000, s2;
	s6 =	simm.s32 $0x108;
	_ =	swait.ge @!p0 [sflag:s8], $0x0  }
0x24: {  	s3 =	sadd.s32 $0x88, s3;
	s6 =	simm.s32 @!p1 $0x1082;
	[sflag:s4] =	ssyncset.s32 $0xFFFFF086  }
0x25: {  	[simem:s6], [sflag:s4] =	dma.local [hbm:s3], $0xF7A  }
0x26: {  	[smem:$0x3F8F] =	sst s1;
	(tag) =	ssettag s2;
	_ =	strace s9  }
0x27: {  	s1 =	sld [smem:$0x3F9F]  }
0x28: {  	s2 =	sld [smem:$0x3FA0]  }
0x29: {  	s4 =	sld [smem:$0x3FA2]  }
0x2a: {  	p0 =	seq.s32 s5, $0x0;
	s5 =	sld [smem:$0x3FA3]  }
0x2b: {  	s6 =	sld [smem:$0x3FA4]  }
0x2c: {  	s7 =	sld [smem:$0x3FA5]  }
0x2d: {  	s3 =	simm.s32 $0x108;
	s8 =	sld [smem:$0x3FA6]  }
0x2e: {  	s3 =	simm.s32 @!p0 $0x1082;
	s9 =	sld [smem:$0x3FA7]  }
0x2f: {  	lr =	sadd.s32 s0, s3;
	s0 =	sld [smem:$0x3F9E]  }
0x30: {  	s3 =	sld [smem:$0x3FA1]  }
0x31: {  	[smem:$0x3FAA] =	sst s10  }
0x32: {  	s10 =	sld [smem:$0x3FA8];
	_ =	sdelay $0x3  }
0x33: {  	p0 =	seq.s32 s10, $0x1;
	s10 =	sld [smem:$0x3FAA];
	_ =	sdelay $0x3  }
0x34: {  	[smem:$0x3FAA] =	sst s10  }
0x35: {  	s10 =	sld [smem:$0x3FA9];
	_ =	sdelay $0x3  }
0x36: {  	p1 =	seq.s32 s10, $0x1;
	s10 =	sld [smem:$0x3FAA];
	_ =	sdelay $0x3  }
0x37: {  	[smem:$0x3FAA] =	sst s10  }
0x38: {  	s10 =	sld [smem:$0x3FAB]  }
0x39: {  	_ = 	snop;
	(pc) =	sbr.ind lr, $3  }
0x3a: {  	_ = 	snop  }
0x3b: {  	_ = 	snop  }
0x3c: {  	p2 =	seq.s32 s10, $0x1;
	s10 =	sld [smem:$0x3FAA]  }
0x3d: {  	_ =	shalt  }
0x3e: {  	_ =	shalt  }
0x3f: {  	_ =	shalt  }
0x40: {  	_ =	shalt  }
0x41: {  	_ =	shalt  }
0x42: {  	_ =	shalt  }
0x43: {  	_ =	shalt  }
0x44: {  	_ =	shalt  }
0x45: {  	_ =	shalt  }
0x46: {  	_ =	shalt  }
0x47: {  	_ =	shalt  }
0x48: {  	_ =	shalt  }
0x49: {  	_ =	shalt  }
0x4a: {  	_ =	shalt  }
0x4b: {  	_ =	shalt  }
0x4c: {  	_ =	shalt  }
0x4d: {  	_ =	shalt  }
0x4e: {  	_ =	shalt  }
0x4f: {  	_ =	shalt  }
0x50: {  	_ =	shalt  }
0x51: {  	_ =	shalt  }
0x52: {  	_ =	shalt  }
0x53: {  	_ =	shalt  }
0x54: {  	_ =	shalt  }
0x55: {  	_ =	shalt  }
0x56: {  	_ =	shalt  }
0x57: {  	_ =	shalt  }
0x58: {  	_ =	shalt  }
0x59: {  	_ =	shalt  }
0x5a: {  	_ =	shalt  }
0x5b: {  	_ =	shalt  }
0x5c: {  	_ =	shalt  }
0x5d: {  	_ =	shalt  }
0x5e: {  	_ =	shalt  }
0x5f: {  	_ =	shalt  }
0x60: {  	_ =	shalt  }
0x61: {  	_ =	shalt  }
0x62: {  	_ =	shalt  }
0x63: {  	_ =	shalt  }
0x64: {  	_ =	shalt  }
0x65: {  	_ =	shalt  }
0x66: {  	_ =	shalt  }
0x67: {  	_ =	shalt  }
0x68: {  	_ =	shalt  }
0x69: {  	_ =	shalt  }
0x6a: {  	_ =	shalt  }
0x6b: {  	_ =	shalt  }
0x6c: {  	_ =	shalt  }
0x6d: {  	_ =	shalt  }
0x6e: {  	_ =	shalt  }
0x6f: {  	_ =	shalt  }
0x70: {  	_ =	shalt  }
0x71: {  	_ =	shalt  }
0x72: {  	_ =	shalt  }
0x73: {  	_ =	shalt  }
0x74: {  	_ =	shalt  }
0x75: {  	_ =	shalt  }
0x76: {  	_ =	shalt  }
0x77: {  	_ =	shalt  }
0x78: {  	_ =	shalt  }
0x79: {  	_ =	shalt  }
0x7a: {  	_ =	shalt  }
0x7b: {  	_ =	shalt  }
0x7c: {  	_ =	shalt  }
0x7d: {  	_ =	shalt  }
0x7e: {  	_ =	shalt  }
0x7f: {  	_ =	shalt  }
0x80: {  	_ =	shalt  }
0x81: {  	_ =	shalt  }
0x82: {  	_ =	shalt  }
0x83: {  	_ =	shalt  }
0x84: {  	_ =	shalt  }
0x85: {  	_ =	shalt  }
0x86: {  	_ =	shalt  }
0x87: {  	_ =	shalt  }
.Lfunc_end0:
.L_simem_size_0:
called_computation.4_lowered:
.L_overlay_start_0:
0x88: {  	s2 =	sld [smem:$0x3FD9]  }
0x89: {  	s3 =	sld [smem:$0x3FFE];
	_ =	sdelay $0x1  }
0x8a: {  	s1 =	srdreg.scid  }
0x8b: {  	s0 =	sand.u32 $0x1, s1  }
0x8c: {  	s17 =	sshll.u32 s0, $0xA;
	s2 =	sadd.s32 s3, s2  }
0x8d: {  	s2 =	sadd.s32 s2, s17  }
0x8e: {  	[smem:$0x3FB6] =	sst s2  }
0x8f: {  	_ = 	snop  }
0x90: {  	s2 =	sld [smem:$0x3FD0];
	(tm) =	ssettm $0x1  }
0x91: {  	s18 =	sld [smem:$0x3FFB];
	_ =	sdelay $0x3  }
0x92: {  	_ =	strace s18  }
0x93: {  	s3 =	sld [smem:$0x3FFC];
	_ =	sdelay $0x3  }
0x94: {  	_ =	strace s3  }
0x95: {  	s3 =	sld [smem:$0x3FFD];
	_ =	sdelay $0x3  }
0x96: {  	_ =	strace s3  }
0x97: {  	_ =	strace $0x8FFFFFFF  }
0x98: {  	s19 =	sld [smem:$0x3FDB];
	_ =	sdelay $0x1  }
0x99: {  	s4 =	simm.s32 $_scs_section_size  }
0x9a: {  	s5 =	simm.s32 $_size__tile_overlayer_lowered;
	s6 =	simm.s32 $_tile_overlayer_lowered  }
0x9b: {  	s22 =	simm.s32 $0x1BFF;
	s21 =	sshll.u32 s6, $0x1;
	s3 =	sadd.s32 s4, s19  }
0x9c: {  	s7 =	simm.s32 $0x0;
	s20 =	sshll.u32 s5, $0x1;
	s5 =	sadd.s32 s21, s3  }
0x9d: {  	[timem:s7], [sflag:s22] =	dma.local [hbm:s5], s20  }
0x9e: {  	_ =	swait.ge [sflag:s22], s20  }
0x9f: {  	s4 =	ssub.s32 $0x0, s20;
	[sflag:s22] =	ssyncset.done $0x0  }
0xa0: {  	[sflag:s22] =	ssyncadd.s32 s4;
	_ =	sdelay $0x1  }
0xa1: {  	s23 =	simm.s32 $0x1B8B  }
0xa2: {  	_ =	swait.ge [sflag:s23], $0x1  }
0xa3: {  	[sflag:s23] =	ssyncset.done $0x0  }
0xa4: {  	s25 =	simm.s32 $0x1B8E;
	s24 =	sld [smem:$0x3FFE];
	[sflag:s23] =	ssyncadd.s32 $0xFFFFFFFF  }
0xa5: {  	s26 =	simm.s32 $execute0_lowered;
	[smem:$0x3FD2] =	sst s25  }
0xa6: {  	s5 =	sshll.u32 s26, $0x1;
	_ =	strace $0x80000052;
	[dreg:$0x1] =	wrdreg $0xFFFFFFFF  }
0xa7: {  	s28 =	simm.s32 $_size_execute0_lowered;
	s3 =	sadd.s32 s3, s5;
	[dreg:$0x0] =	wrdreg $0x0  }
0xa8: {  	s5 =	sshll.u32 s28, $0x1;
	[dreg:$0x2] =	wrdreg s3  }
0xa9: {  	[dreg:$0x3] =	wrdreg s5  }
0xaa: {  	[dreg:$0x4] =	wrdreg $0xC0  }
0xab: {  	_ =	task [dreg:s7], $0x5FFFF  }
0xac: {  	[dreg:$0x1] =	wrdreg $0xFFFFFFFF  }
0xad: {  	[dreg:$0x0] =	wrdreg $0x60  }
0xae: {  	[dreg:$0x2] =	wrdreg s24  }
0xaf: {  	[dreg:$0x3] =	wrdreg s2  }
0xb0: {  	[dreg:$0x4] =	wrdreg $0x41000  }
0xb1: {  	[dreg:$0x5] =	wrdreg $0x9  }
0xb2: {  	_ =	task.clear_ibuf [dreg:s7], $0x6FFFF;
	_ =	strace $0x90000052  }
0xb3: {  	s29 =	simm.s32 $0x9;
	_ =	strace $0x80000054  }
0xb4: {  	_ =	swait.ge [sflag:s29], $0x1  }
0xb5: {  	[sflag:s29] =	ssyncadd.s32 $0xFFFFFFFF  }
0xb6: {  	_ =	strace $0x90000054  }
0xb7: {  	_ =	sfence  }
0xb8: {  	s30 =	sld [smem:$0x0];
	_ =	sdelay $0x2  }
0xb9: {  	s31 =	sshll.u32 s1, $0xD;
	s1 =	sshrl.u32 s1, $0x2  }
0xba: {  	s3 =	sand.u32 $0x4000, s31;
	s1 =	sadd.s32 s1, s30  }
0xbb: {  	s0 =	sor.u32 s3, s0;
	s1 =	sshll.u32 s1, $0x11  }
0xbc: {  	s0 =	sor.u32 s1, s0  }
0xbd: {  	s0 =	sadd.s32 $0x8F2B, s0  }
0xbe: {  	[sflag:s0] =	ssyncadd.remote.s32 $0x1  }
0xbf: {  	_ =	sfence.sel $0xFFFF  }
0xc0: {  	[dreg:$0x0] =	wrdreg $0xFFFFFFFF;
	(pc) =	sbr.abs _section_cstart, $3  }
0xc1: {  	[dreg:$0x1] =	wrdreg $0xFFFFFFFF  }
0xc2: {  	_ =	task.clear_ibuf [dreg:s7], $0x2FFFF;
	_ =	strace $0x9FFFFFFF  }
0xc3: {  	(tm) =	ssettm $0x7FFFFFFF  }
tec
execute0_lowered:
.L_overlay_start_1:
0x0: {  	(tag) =	ssettag $0x1  }
0x1: {  	s6 =	rddreg [dreg:$0x0]  }
0x2: {  	s8 =	rddreg [dreg:$0x1]  }
0x3: {  	s0 =	srdreg.scid;
	s2 =	stileid.u32  }
0x4: {  	s1 =	rddreg [dreg:$0x2];
	s3 =	simm.s32 $0x0;
	s10 =	smul.u32 $0x13C00, s2  }
0x5: {  	s15 =	simm.s32 $0x1;
	s16 =	simm.s32 $0x0;
	s12 =	smul.u32 $0x4F000, s2  }
0x6: {  	s5 =	sand.u32 $0x1, s0;
	s0 =	rddreg [dreg:$0x3];
	s14 =	smul.u32 $0x4F0, s2  }
0x7: {  	[smem:$0x7FF] =	sst s3;
	s4 =	sadd.s32 $0x7800, s6;
	s9 =	smul.u32 $0x4F00, s5  }
0x8: {  	s13 =	sshll.u32 s2, $0x6;
	s7 =	smul.u32 $0x13C000, s5;
	s30 =	ssub.s32 $0x2, s5  }
0x9: {  	_ =	strace $0x80000053;
	s5 =	sadd.s32 $0x5000, s6;
	s31 =	sshrl.u32 s30, $0x1  }
0xa: {  	s12 =	sshrl.u32 s12, $0x2;
	s11 =	sadd.s32 s9, s6;
	s7 =	sadd.s32 s10, s7  }
0xb: {  	s10 =	ssub.s32 s30, s31;
	s12 =	sadd.s32 s12, s1;
	s9 =	sadd.s32 s9, s8  }
0xc: {  	s7 =	sshrl.u32 s7, $0x3;
	s11 =	sadd.s32 s14, s11;
	s8 =	smax.u32 s10, $0x1  }
0xd: {  	s9 =	sadd.s32 s14, s9;
	s14 =	simm.s32 $0x100;
	s7 =	sadd.s32 s7, s6  }
0xe: {  	s6 =	sor.u32 $0x1C02, s13;
	s10 =	sadd.s32 $0x57000, s11;
	s11 =	sshrl.u32 s12, $0x3  }
0xf: {  	s12 =	simm.s32 $0x2;
	s13 =	simm.s32 $0x80;
	s7 =	sadd.s32 $0x88000, s7  }
.LBB2_1:
0x10: {  	[spmem:s11], [sflag:s6] =	dma.local [hbm:s5], $0x2780  }
0x11: {  	_ =	swait.ge [sflag:s12], $0x2780  }
0x12: {  	[sflag:s12] =	ssyncset.done $0x0  }
0x13: {  	[sflag:s12] =	ssyncadd.s32 $0xFFFFD880  }
0x14: {  	s17 =	sadd.s32 $0x0, s10;
	[bflag:$0x0] =	sbarrier.arrive $0xFFFF  }
0x15: {  	[tilespmem:s3], [sflag:$0x2] =	stream.linear.gather [hbm4b:s17+s3], $0x80, $0x38;
	[tilespmem:$0x17D00] =	vst v63  }
0x16: {  	_ =	swait.ge [sflag:s12], $0x80  }
0x17: {  	[sflag:s12] =	ssyncset.done $0x0  }
0x18: {  	s31 =	sadd.s32 $0x0, s9;
	[sflag:s12] =	ssyncadd.s32 $0xFFFFFF80  }
0x19: {  	[tilespmem:s13], [sflag:$0x2] =	stream.linear.gather [hbm4b:s31+s3], $0x80, $0x38;
	[tilespmem:$0x17D00] =	vst v63  }
0x1a: {  	_ =	swait.ge [sflag:s12], $0x80  }
0x1b: {  	[sflag:s12] =	ssyncset.done $0x0  }
0x1c: {  	[sflag:s12] =	ssyncadd.s32 $0xFFFFFF80  }
0x1d: {  	[tilespmem:s14], [sflag:$0x1] =	stream.indirect.gather [hbm4b:s4+s13], $0x80, s3, s13, $0xb8;
	[tilespmem:$0x17D00] =	vst v63  }
0x1e: {  	_ =	swait.ge [sflag:s15], $0x4000  }
0x1f: {  	[sflag:s15] =	ssyncset.done $0x0  }
0x20: {  	[sflag:s15] =	ssyncadd.s32 $0xFFFFC000  }
0x21: {  	[spmem:s1] =	stream.indirect.scatter.add.f32 [tilespmem:s14], [sflag:$0x2], $0x80, s13, s13, $0xb8;
	[tilespmem:$0x17D00] =	vst v63  }
0x22: {  	_ =	swait.ge [sflag:s12], $0x4000  }
0x23: {  	s18 =	simm.s32 $0x20;
	s17 =	simm.s32 $0x10;
	[sflag:s12] =	ssyncset.done $0x0  }
.LBB2_2:
0x24: {  	s19 =	sadd.s32 s17, s10  }
0x25: {  	[sflag:s12] =	ssyncadd.s32 $0xFFFFC000;
	s20 =	smov.u32 s18;
	s21 =	sadd.s32 $0x10, s18  }
0x26: {  	[tilespmem:s3], [sflag:$0x2] =	stream.linear.gather [hbm4b:s19+s3], $0x80, $0x38;
	[tilespmem:$0x17D00] =	vst v63  }
0x27: {  	p0 =	sne.s32 s18, $0x4E0;
	_ =	swait.ge [sflag:s12], $0x80  }
0x28: {  	[sflag:s12] =	ssyncset.done $0x0  }
0x29: {  	s18 =	sadd.s32 s17, s9;
	s17 =	smov.u32 s20;
	[sflag:s12] =	ssyncadd.s32 $0xFFFFFF80  }
0x2a: {  	[tilespmem:s13], [sflag:$0x2] =	stream.linear.gather [hbm4b:s18+s3], $0x80, $0x38;
	[tilespmem:$0x17D00] =	vst v63  }
0x2b: {  	_ =	swait.ge [sflag:s12], $0x80  }
0x2c: {  	[sflag:s12] =	ssyncset.done $0x0  }
0x2d: {  	[sflag:s12] =	ssyncadd.s32 $0xFFFFFF80  }
0x2e: {  	[tilespmem:s14], [sflag:$0x1] =	stream.indirect.gather [hbm4b:s4+s13], $0x80, s3, s13, $0xb8;
	[tilespmem:$0x17D00] =	vst v63  }
0x2f: {  	_ =	swait.ge [sflag:s15], $0x4000  }
.Ltmp0:
0x30: {  	[sflag:s15] =	ssyncset.done $0x0;
	(pc) =	sbr.rel @p0 .LBB2_2-.Ltmp0, $4  }
0x31: {  	[sflag:s15] =	ssyncadd.s32 $0xFFFFC000  }
0x32: {  	[spmem:s1] =	stream.indirect.scatter.add.f32 [tilespmem:s14], [sflag:$0x2], $0x80, s13, s13, $0xb8;
	[tilespmem:$0x17D00] =	vst v63  }
0x33: {  	_ =	swait.ge [sflag:s12], $0x4000  }
0x34: {  	s18 =	smov.u32 s21;
	[sflag:s12] =	ssyncset.done $0x0  }
0x35: {  	s18 =	sadd.s32 s17, s10;
	[sflag:s12] =	ssyncadd.s32 $0xFFFFC000  }
0x36: {  	[tilespmem:s3], [sflag:$0x2] =	stream.linear.gather [hbm4b:s18+s3], $0x80, $0x38;
	[tilespmem:$0x17D00] =	vst v63  }
0x37: {  	_ =	swait.ge [sflag:s12], $0x80  }
0x38: {  	[sflag:s12] =	ssyncset.done $0x0  }
0x39: {  	s31 =	sadd.s32 s17, s9;
	[sflag:s12] =	ssyncadd.s32 $0xFFFFFF80  }
0x3a: {  	[tilespmem:s13], [sflag:$0x2] =	stream.linear.gather [hbm4b:s31+s3], $0x80, $0x38;
	[tilespmem:$0x17D00] =	vst v63  }
0x3b: {  	_ =	swait.ge [sflag:s12], $0x80  }
0x3c: {  	[sflag:s12] =	ssyncset.done $0x0  }
0x3d: {  	[sflag:s12] =	ssyncadd.s32 $0xFFFFFF80  }
0x3e: {  	[tilespmem:s14], [sflag:$0x1] =	stream.indirect.gather [hbm4b:s4+s13], $0x80, s3, s13, $0xb8;
	[tilespmem:$0x17D00] =	vst v63  }
0x3f: {  	_ =	swait.ge [sflag:s15], $0x4000  }
0x40: {  	[sflag:s15] =	ssyncset.done $0x0  }
0x41: {  	[sflag:s15] =	ssyncadd.s32 $0xFFFFC000  }
0x42: {  	[spmem:s1] =	stream.indirect.scatter.add.f32 [tilespmem:s14], [sflag:$0x2], $0x80, s13, s13, $0xb8;
	[tilespmem:$0x17D00] =	vst v63  }
0x43: {  	_ =	swait.ge [sflag:s12], $0x4000  }
0x44: {  	s16 =	sadd.s32 $0x1, s16;
	[sflag:s12] =	ssyncset.done $0x0  }
0x45: {  	p0 =	sne.s32 s16, s8;
	[sflag:s12] =	ssyncadd.s32 $0xFFFFC000  }
.Ltmp1:
0x46: {  	[bflag:$0x0] =	sbarrier.arrive $0xFFFF;
	(pc) =	sbr.rel @p0 .LBB2_1-.Ltmp1, $4  }
0x47: {  	[hbm:s7], [sflag:s6] =	dma.local [spmem:s11], $0x2780  }
0x48: {  	_ =	swait.ge [sflag:s12], $0x2780  }
0x49: {  	[sflag:s12] =	ssyncset.done $0x0  }
0x4a: {  	[sflag:s12] =	ssyncadd.s32 $0xFFFFD880  }
0x4b: {  	_ =	sfence.sel $0x180000  }
0x4c: {  	[bflag:$0x0] =	sbarrier.arrive $0xFFFF  }
0x4d: {  	p0 =	sne.s32 s2, $0x0;
	_ =	strace $0x90000053  }
0x4e: {  	s0 =	sadd.s32 @!p0 $0x100000, s0;
	[bflag:$0x2] =	sbarrier.arrive $0xFFFF  }
0x4f: {  	[sflag:s0] =	ssyncadd.tile.s32 @!p0 $0x1;
	_ =	shalt  }
.Lfunc_end2:
_tile_overlayer_lowered:
.L_overlay_start_2:
0x50: {  	(tag) =	ssettag $0x2  }
0x51: {  	s0 =	rddreg [dreg:$0x0];
	s2 =	stileid.u32  }
0x52: {  	s1 =	rddreg [dreg:$0x1];
	p0 =	sne.s32 s2, $0x0  }
0x53: {  	s3 =	rddreg [dreg:$0x2];
	[bflag:$0x3] =	sbarrier.arrive $0xFFFF;
	s2 =	simm.s32 @!p0 $0x1C02  }
0x54: {  	[timem:s3], [sflag:s2] =	dma.local @!p0 [hbm:s0], s1  }
0x55: {  	s0 =	simm.s32 @!p0 $0x2  }
0x56: {  	_ =	swait.ge @!p0 [sflag:s0], s1  }
0x57: {  	s1 =	ssub.s32 @!p0 $0x0, s1;
	[sflag:s0] =	ssyncset.done @!p0 $0x0  }
0x58: {  	[sflag:s0] =	ssyncadd.s32 @!p0 s1  }
0x59: {  	[bflag:$0x3] =	sbarrier.arrive $0xFFFF  }
0x5a: {  	_ =	shalt  }

</sc_bundles>
